<compile_context>
chip_gen: v7x
topology: tpu7x:2x2x1
jax: 0.10.2.dev20260603
libtpu: 0.0.44.dev20260713+nightly
codegen_flags: <defaults>
</compile_context>

<pallas_src>
import functools

import jax
import jax.numpy as jnp
from jax import lax
from jax.experimental import pallas as pl
from jax.experimental.pallas import tpu as pltpu
from jax.experimental.pallas import tpu_sc as plsc

_NC, _NS = 2, 16
_NW = _NC * _NS
_CH = 80
_K = 25
_SUP = _CH * _K


def _sc_gather(atom, src, e_total):
    d = atom.shape[1]
    dt = atom.dtype
    ch = _CH
    per_w = e_total // _NW
    n_chunks = per_w // ch
    mesh = plsc.VectorSubcoreMesh(core_axis_name="c", subcore_axis_name="s")

    @functools.partial(
        pl.kernel,
        out_type=jax.ShapeDtypeStruct((e_total, d), dt),
        mesh=mesh,
        compiler_params=pltpu.CompilerParams(use_tc_tiling_on_sc=False),
        scratch_types=[
            pltpu.VMEM((ch,), jnp.int32),
            pltpu.VMEM((ch, d), dt),
            pltpu.SemaphoreType.DMA,
        ],
    )
    def gather_kernel(atom_hbm, src_hbm, out_hbm, idx_v, rows_v, sem):
        wid = lax.axis_index("s") * _NC + lax.axis_index("c")
        base_w = wid * per_w

        def body(i, carry):
            base = base_w + i * ch
            pltpu.sync_copy(src_hbm.at[pl.ds(base, ch)], idx_v)
            pltpu.async_copy(atom_hbm.at[idx_v], rows_v, sem).wait()
            pltpu.sync_copy(rows_v, out_hbm.at[pl.ds(base, ch)])
            return carry

        lax.fori_loop(0, n_chunks, body, 0)

    return gather_kernel(atom, src)


def _sc_scatter_v1(rows, dst, zeros):
    e_total, d = rows.shape
    n_nodes = zeros.shape[0]
    ch = _CH
    per_w = e_total // _NW
    n_chunks = per_w // ch
    mesh = plsc.VectorSubcoreMesh(core_axis_name="c", subcore_axis_name="s")

    @functools.partial(
        pl.kernel,
        out_type=jax.ShapeDtypeStruct((_NC * n_nodes, d), jnp.float32),
        mesh=mesh,
        compiler_params=pltpu.CompilerParams(use_tc_tiling_on_sc=False),
        scratch_types=[
            pltpu.VMEM((ch,), jnp.int32),
            pltpu.VMEM((ch, d), jnp.float32),
            pltpu.VMEM_SHARED((n_nodes, d), jnp.float32),
            pltpu.SemaphoreType.DMA,
        ],
    )
    def scatter_kernel(rows_hbm, dst_hbm, zeros_hbm, out_hbm,
                       idx_v, rows_v, acc_sh, sem):
        cid = lax.axis_index("c")
        sid = lax.axis_index("s")
        wid = sid * _NC + cid

        @pl.when(sid == 0)
        def _():
            pltpu.sync_copy(zeros_hbm, acc_sh)

        plsc.subcore_barrier()
        base_w = wid * per_w

        def body(i, carry):
            base = base_w + i * ch
            pltpu.sync_copy(dst_hbm.at[pl.ds(base, ch)], idx_v)
            pltpu.sync_copy(rows_hbm.at[pl.ds(base, ch)], rows_v)
            pltpu.sync_copy(rows_v, acc_sh.at[idx_v], add=True)
            return carry

        lax.fori_loop(0, n_chunks, body, 0)
        plsc.subcore_barrier()

        @pl.when(sid == 0)
        def _():
            pltpu.sync_copy(acc_sh, out_hbm.at[pl.ds(cid * n_nodes, n_nodes)])

    return scatter_kernel(rows, dst, zeros)


def _sc_scatter(rows, dst3d, zeros):
    e_total, d = rows.shape
    n_nodes = zeros.shape[0]
    nw, n_chunks, ch = dst3d.shape
    per_w = n_chunks * ch
    n_sup = n_chunks // _K
    mesh = plsc.VectorSubcoreMesh(core_axis_name="c", subcore_axis_name="s")

    @functools.partial(
        pl.kernel,
        out_type=jax.ShapeDtypeStruct((_NC * n_nodes, d), jnp.float32),
        mesh=mesh,
        compiler_params=pltpu.CompilerParams(use_tc_tiling_on_sc=False),
        scratch_types=[
            pltpu.VMEM((_K, ch), jnp.int32),
            pltpu.VMEM((_SUP, d), jnp.float32),
            pltpu.VMEM_SHARED((n_nodes, d), jnp.float32),
            pltpu.SemaphoreType.DMA,
        ],
    )
    def scatter_kernel(rows_hbm, dst_hbm, zeros_hbm, out_hbm,
                       idx_v, rows_v, acc_sh, sem):
        cid = lax.axis_index("c")
        sid = lax.axis_index("s")
        wid = sid * _NC + cid

        @pl.when(sid == 0)
        def _():
            pltpu.sync_copy(zeros_hbm, acc_sh)

        plsc.subcore_barrier()
        base_w = wid * per_w

        def sup_body(sidx, carry):
            pltpu.sync_copy(dst_hbm.at[wid, pl.ds(sidx * _K, _K)], idx_v)
            pltpu.sync_copy(rows_hbm.at[pl.ds(base_w + sidx * _SUP, _SUP)],
                            rows_v)
            descs = [
                pltpu.async_copy(rows_v.at[pl.ds(j * ch, ch)],
                                 acc_sh.at[idx_v.at[j]],
                                 sem, add=True)
                for j in range(_K)
            ]
            for dd in descs:
                dd.wait()
            return carry

        lax.fori_loop(0, n_sup, sup_body, 0)
        plsc.subcore_barrier()

        @pl.when(sid == 0)
        def _():
            pltpu.sync_copy(acc_sh, out_hbm.at[pl.ds(cid * n_nodes, n_nodes)])

    return scatter_kernel(rows, dst3d, zeros)


def _tc_transform(bond, nbr, kaug, rexp):
    e_total, bd = bond.shape
    d = nbr.shape[1]
    kd = bd * d
    tile = 2000
    grid = e_total // tile

    def body(bond_ref, nbr_ref, kaug_ref, rexp_ref, out_ref):
        q = jnp.dot(nbr_ref[...], kaug_ref[...],
                    preferred_element_type=jnp.float32)
        bond_exp = jnp.dot(bond_ref[...], rexp_ref[...],
                           preferred_element_type=jnp.float32)
        prod = q[:, :kd] * bond_exp
        s = (prod[:, 0:128] + prod[:, 128:256]
             + prod[:, 256:384] + prod[:, 384:512])
        t = s + pltpu.roll(s, 64, 1)
        u = t + pltpu.roll(t, 32, 1)
        out_ref[...] = u[:, 0:d] + q[:, kd:]

    return pl.pallas_call(
        body,
        grid=(grid,),
        in_specs=[
            pl.BlockSpec((tile, bd), lambda i: (i, 0)),
            pl.BlockSpec((tile, d), lambda i: (i, 0)),
            pl.BlockSpec((d, (bd + 1) * d), lambda i: (0, 0)),
            pl.BlockSpec((bd, kd), lambda i: (0, 0)),
        ],
        out_specs=pl.BlockSpec((tile, d), lambda i: (i, 0)),
        out_shape=jax.ShapeDtypeStruct((e_total, d), jnp.float32),
    )(bond, nbr, kaug, rexp)


def _tc_merge(partials, n_nodes):
    d = partials.shape[1]

    def body(p_ref, out_ref):
        out_ref[...] = p_ref[:n_nodes, :] + p_ref[n_nodes:, :]

    return pl.pallas_call(
        body,
        out_shape=jax.ShapeDtypeStruct((n_nodes, d), jnp.float32),
    )(partials)


def kernel(atom_features, bond_features, pair_indices, kernel, bias):
    n_nodes, d = atom_features.shape
    bd = bond_features.shape[1]
    e_total = pair_indices.shape[0]
    n_chunks = e_total // (_NW * _CH)
    src = pair_indices[:, 1].astype(jnp.int32)
    dst = pair_indices[:, 0].astype(jnp.int32)
    kmain = kernel.reshape(bd, d, d).transpose(2, 0, 1).reshape(d, bd * d)
    kaug = jnp.concatenate([kmain, bias.reshape(d, d).T], axis=1)
    rexp = jnp.repeat(jnp.eye(bd, dtype=jnp.float32), d, axis=1)

    nbr = _sc_gather(atom_features, src, e_total)
    transformed = _tc_transform(bond_features, nbr, kaug, rexp)
    dst3d = dst.reshape(_NW, n_chunks, _CH)
    partials = _sc_scatter(transformed, dst3d, jnp.zeros((n_nodes, d), jnp.float32))
    return _tc_merge(partials, n_nodes)

# --- scband reference (transcript-rebuilt; emitter-appended) ---
"""Pipeline reference for scband-edge-network-70428873720445 (READ-ONLY COPY).

The authoritative reference and input builder live on the scoring server;
editing this copy changes nothing except your own understanding.
"""

import jax, jax.numpy as jnp
import numpy as np

N_NODES = 10000
N_EDGES = 320000
ATOM_DIM = 32
BOND_DIM = 16


def setup_inputs(seed: int = 0) -> dict:
    key = jax.random.key(seed)
    k1, k2, k3, k4 = jax.random.split(key, 4)
    atom_features = jax.random.normal(k1, (N_NODES, ATOM_DIM), dtype=jnp.float32)
    bond_features = jax.random.normal(k2, (N_EDGES, BOND_DIM), dtype=jnp.float32)
    pair_indices = jax.random.randint(k3, (N_EDGES, 2), 0, N_NODES, dtype=jnp.int64 if jax.config.jax_enable_x64 else jnp.int32)
    # xavier uniform init for kernel [bond_dim, atom_dim*atom_dim]
    fan_in, fan_out = BOND_DIM, ATOM_DIM * ATOM_DIM
    limit = float(np.sqrt(6.0 / (fan_in + fan_out)))
    kernel = jax.random.uniform(k4, (BOND_DIM, ATOM_DIM * ATOM_DIM), dtype=jnp.float32, minval=-limit, maxval=limit)
    bias = jnp.zeros((ATOM_DIM * ATOM_DIM,), dtype=jnp.float32)
    return {
        "atom_features": atom_features,
        "bond_features": bond_features,
        "pair_indices": pair_indices,
        "kernel": kernel,
        "bias": bias,
    }


def reference(atom_features, bond_features, pair_indices, kernel, bias):
    atom_dim = atom_features.shape[-1]
    n_atoms = atom_features.shape[0]
    # per-edge transformation matrix from bond features
    bf = jnp.matmul(bond_features, kernel) + bias  # [E, atom_dim*atom_dim]
    bf = bf.reshape(-1, atom_dim, atom_dim)        # [E, atom_dim, atom_dim]
    # gather neighbor atom features (source = pair_indices[:, 1])
    nbr = jnp.take(atom_features, pair_indices[:, 1], axis=0)  # [E, atom_dim]
    # batched matvec: bf @ nbr[..., None]
    transformed = jnp.einsum('eij,ej->ei', bf, nbr)            # [E, atom_dim]
    # scatter-add into destination nodes (pair_indices[:, 0])
    aggregated = jnp.zeros((n_atoms, atom_dim), dtype=atom_features.dtype)
    aggregated = aggregated.at[pair_indices[:, 0]].add(transformed)
    return aggregated

if __name__ == "__main__":
    import jax
    _d = setup_inputs()
    print(jax.jit(kernel)(*tuple(_d.values())))

</pallas_src>

<mosaic_0001>
#map = affine_map<(d0, d1) -> (0, 0)>
#map1 = affine_map<(d0, d1) -> (0)>
module attributes {stable_mosaic.version = 14 : i64} {
  func.func @gather_kernel(%arg0: i32, %arg1: i32, %arg2: memref<10000x32xf32, #tpu.memory_space<hbm>>, %arg3: memref<320000xi32, #tpu.memory_space<hbm>>, %arg4: memref<320000x32xf32, #tpu.memory_space<hbm>>, %arg5: memref<80xi32, #tpu.memory_space<vmem>>, %arg6: memref<80x32xf32, #tpu.memory_space<vmem>>, %arg7: memref<!tpu.dma_semaphore, #tpu.memory_space<semaphore_mem>>) attributes {dimension_semantics = [#tpu.dimension_semantics<core_parallel>, #tpu.dimension_semantics<subcore_parallel>], iteration_bounds = array<i64: 2, 16>, scalar_prefetch = 0 : i64, scratch_operands = 3 : i64, tpu.core_type = #tpu.core_type<sc_vector_subcore>, window_params = [{transform_indices = #map}, {transform_indices = #map1}, {transform_indices = #map}]} {
    %mul3A = arith.constant 2 : i32
    %mul3A_0 = arith.muli %arg1, %mul3A : i32
    %add3A = arith.addi %mul3A_0, %arg0 : i32
    %mul3A_1 = arith.constant 10000 : i32
    %mul3A_2 = arith.muli %add3A, %mul3A_1 : i32
    %scan3A = arith.constant 0 : i32
    %scan3A_3 = arith.constant 0 : i32
    %scan3A_4 = arith.constant 125 : i32
    %scan3A_5 = arith.addi %scan3A_3, %scan3A_4 : i32
    %scan3A_6 = arith.constant 1 : i32
    scf.for %scan3A_8 = %scan3A_3 to %scan3A_5 step %scan3A_6  : i32 {
      %mul3A_9 = arith.constant 80 : i32
      %mul3A_10 = arith.muli %scan3A_8, %mul3A_9 : i32
      %add3A_11 = arith.addi %mul3A_2, %mul3A_10 : i32
      "tpu.region"() ({
        %run_scoped3A = tpu.sem_alloc : memref<!tpu.dma_semaphore, #tpu.memory_space<semaphore_mem>>
        %dma_start3A_16 = tpu.memref_slice %arg3[%add3A_11] : memref<320000xi32, #tpu.memory_space<hbm>> -> memref<80xi32, #tpu.memory_space<hbm>>
        %dma_start3A_17 = tpu.memref_slice %arg3[%add3A_11] : memref<320000xi32, #tpu.memory_space<hbm>> -> memref<80xi32, #tpu.memory_space<hbm>>
        tpu.enqueue_dma source(%dma_start3A_17 : memref<80xi32, #tpu.memory_space<hbm>>) target(%arg5 : memref<80xi32, #tpu.memory_space<vmem>>) target_semaphore(%run_scoped3A : memref<!tpu.dma_semaphore, #tpu.memory_space<semaphore_mem>>)
        %dma_wait3A_18 = tpu.memref_slice %arg3[%add3A_11] : memref<320000xi32, #tpu.memory_space<hbm>> -> memref<80xi32, #tpu.memory_space<hbm>>
        %dma_wait3A_19 = tpu.memref_slice %arg3[%add3A_11] : memref<320000xi32, #tpu.memory_space<hbm>> -> memref<80xi32, #tpu.memory_space<hbm>>
        tpu.wait_dma2 semaphore(%run_scoped3A : memref<!tpu.dma_semaphore, #tpu.memory_space<semaphore_mem>>) src(%dma_wait3A_19 : memref<80xi32, #tpu.memory_space<hbm>>) dst(%arg5 : memref<80xi32, #tpu.memory_space<vmem>>)
        tpu.yield
      }) : () -> ()
      %dma_start3A = arith.constant 0 : i32
      %dma_start3A_12 = arith.constant 0 : i32
      %dma_start3A_13 = tpu.memref_slice %arg2[%dma_start3A, %dma_start3A_12] : memref<10000x32xf32, #tpu.memory_space<hbm>> -> memref<10000x32xf32, #tpu.memory_space<hbm>>
      tpu.enqueue_indirect_dma source(%dma_start3A_13 : memref<10000x32xf32, #tpu.memory_space<hbm>>) target(%arg6 : memref<80x32xf32, #tpu.memory_space<vmem>>) offsets(%arg5 : memref<80xi32, #tpu.memory_space<vmem>>) semaphore(%arg7 : memref<!tpu.dma_semaphore, #tpu.memory_space<semaphore_mem>>)
      %dma_wait3A = arith.constant 0 : i32
      %dma_wait3A_14 = arith.constant 0 : i32
      %dma_wait3A_15 = tpu.memref_slice %arg2[%dma_wait3A, %dma_wait3A_14] : memref<10000x32xf32, #tpu.memory_space<hbm>> -> memref<10000x32xf32, #tpu.memory_space<hbm>>
      tpu.wait_indirect_dma semaphore(%arg7 : memref<!tpu.dma_semaphore, #tpu.memory_space<semaphore_mem>>) src(%dma_wait3A_15 : memref<10000x32xf32, #tpu.memory_space<hbm>>) dst(%arg6 : memref<80x32xf32, #tpu.memory_space<vmem>>)
      "tpu.region"() ({
        %run_scoped3A = tpu.sem_alloc : memref<!tpu.dma_semaphore, #tpu.memory_space<semaphore_mem>>
        %dma_start3A_16 = arith.constant 0 : i32
        %dma_start3A_17 = tpu.memref_slice %arg4[%add3A_11, %dma_start3A_16] : memref<320000x32xf32, #tpu.memory_space<hbm>> -> memref<80x32xf32, #tpu.memory_space<hbm>>
        %dma_start3A_18 = arith.constant 0 : i32
        %dma_start3A_19 = tpu.memref_slice %arg4[%add3A_11, %dma_start3A_18] : memref<320000x32xf32, #tpu.memory_space<hbm>> -> memref<80x32xf32, #tpu.memory_space<hbm>>
        tpu.enqueue_dma source(%arg6 : memref<80x32xf32, #tpu.memory_space<vmem>>) target(%dma_start3A_19 : memref<80x32xf32, #tpu.memory_space<hbm>>) target_semaphore(%run_scoped3A : memref<!tpu.dma_semaphore, #tpu.memory_space<semaphore_mem>>)
        %dma_wait3A_20 = arith.constant 0 : i32
        %dma_wait3A_21 = tpu.memref_slice %arg4[%add3A_11, %dma_wait3A_20] : memref<320000x32xf32, #tpu.memory_space<hbm>> -> memref<80x32xf32, #tpu.memory_space<hbm>>
        %dma_wait3A_22 = arith.constant 0 : i32
        %dma_wait3A_23 = tpu.memref_slice %arg4[%add3A_11, %dma_wait3A_22] : memref<320000x32xf32, #tpu.memory_space<hbm>> -> memref<80x32xf32, #tpu.memory_space<hbm>>
        tpu.wait_dma2 semaphore(%run_scoped3A : memref<!tpu.dma_semaphore, #tpu.memory_space<semaphore_mem>>) src(%arg6 : memref<80x32xf32, #tpu.memory_space<vmem>>) dst(%dma_wait3A_23 : memref<80x32xf32, #tpu.memory_space<hbm>>)
        tpu.yield
      }) : () -> ()
    }
    %scan3A_7 = arith.constant 125 : i32
    return
  }
}

#map = affine_map<(d0, d1) -> (0, 0)>
#map1 = affine_map<(d0, d1) -> (0, 0, 0)>
module attributes {stable_mosaic.version = 14 : i64} {
  func.func @scatter_kernel(%arg0: i32, %arg1: i32, %arg2: memref<320000x32xf32, #tpu.memory_space<hbm>>, %arg3: memref<32x125x80xi32, #tpu.memory_space<hbm>>, %arg4: memref<10000x32xf32, #tpu.memory_space<hbm>>, %arg5: memref<20000x32xf32, #tpu.memory_space<hbm>>, %arg6: memref<25x80xi32, #tpu.memory_space<vmem>>, %arg7: memref<2000x32xf32, #tpu.memory_space<vmem>>, %arg8: memref<10000x32xf32, #tpu.memory_space<vmem_shared>>, %arg9: memref<!tpu.dma_semaphore, #tpu.memory_space<semaphore_mem>>) attributes {dimension_semantics = [#tpu.dimension_semantics<core_parallel>, #tpu.dimension_semantics<subcore_parallel>], iteration_bounds = array<i64: 2, 16>, scalar_prefetch = 0 : i64, scratch_operands = 4 : i64, tpu.core_type = #tpu.core_type<sc_vector_subcore>, window_params = [{transform_indices = #map}, {transform_indices = #map1}, {transform_indices = #map}, {transform_indices = #map}]} {
    %mul3A = arith.constant 2 : i32
    %mul3A_0 = arith.muli %arg1, %mul3A : i32
    %add3A = arith.addi %mul3A_0, %arg0 : i32
    %eq3A = arith.constant 0 : i32
    %eq3A_1 = arith.cmpi eq, %arg1, %eq3A : i32
    %convert_element_type3A = arith.extui %eq3A_1 : i1 to i32
    %cond3A = arith.constant 0 : i32
    %cond3A_2 = arith.cmpi ne, %convert_element_type3A, %cond3A : i32
    scf.if %cond3A_2 {
      "tpu.region"() ({
        %run_scoped3A = tpu.sem_alloc : memref<!tpu.dma_semaphore, #tpu.memory_space<semaphore_mem>>
        tpu.enqueue_dma source(%arg4 : memref<10000x32xf32, #tpu.memory_space<hbm>>) target(%arg8 : memref<10000x32xf32, #tpu.memory_space<vmem_shared>>) target_semaphore(%run_scoped3A : memref<!tpu.dma_semaphore, #tpu.memory_space<semaphore_mem>>)
        tpu.wait_dma2 semaphore(%run_scoped3A : memref<!tpu.dma_semaphore, #tpu.memory_space<semaphore_mem>>) src(%arg4 : memref<10000x32xf32, #tpu.memory_space<hbm>>) dst(%arg8 : memref<10000x32xf32, #tpu.memory_space<vmem_shared>>)
        tpu.yield
      }) : () -> ()
    } else {
    }
    %barrier3A = arith.constant 0 : index
    tpu.barrier barrier_id(%barrier3A)
    %mul3A_3 = arith.constant 10000 : i32
    %mul3A_4 = arith.muli %add3A, %mul3A_3 : i32
    %scan3A = arith.constant 0 : i32
    %scan3A_5 = arith.constant 0 : i32
    %scan3A_6 = arith.constant 5 : i32
    %scan3A_7 = arith.addi %scan3A_5, %scan3A_6 : i32
    %scan3A_8 = arith.constant 1 : i32
    scf.for %scan3A_16 = %scan3A_5 to %scan3A_7 step %scan3A_8  : i32 {
      %mul3A_17 = arith.constant 25 : i32
      %mul3A_18 = arith.muli %scan3A_16, %mul3A_17 : i32
      "tpu.region"() ({
        %run_scoped3A = tpu.sem_alloc : memref<!tpu.dma_semaphore, #tpu.memory_space<semaphore_mem>>
        %dma_start3A_520 = arith.constant 0 : i32
        %dma_start3A_521 = tpu.memref_slice %arg3[%add3A, %mul3A_18, %dma_start3A_520] : memref<32x125x80xi32, #tpu.memory_space<hbm>> -> memref<1x25x80xi32, #tpu.memory_space<hbm>>
        %dma_start3A_522 = tpu.memref_squeeze %dma_start3A_521 : memref<1x25x80xi32, #tpu.memory_space<hbm>> -> memref<25x80xi32, #tpu.memory_space<hbm>>
        %dma_start3A_523 = arith.constant 0 : i32
        %dma_start3A_524 = tpu.memref_slice %arg3[%add3A, %mul3A_18, %dma_start3A_523] : memref<32x125x80xi32, #tpu.memory_space<hbm>> -> memref<1x25x80xi32, #tpu.memory_space<hbm>>
        %dma_start3A_525 = tpu.memref_squeeze %dma_start3A_524 : memref<1x25x80xi32, #tpu.memory_space<hbm>> -> memref<25x80xi32, #tpu.memory_space<hbm>>
        tpu.enqueue_dma source(%dma_start3A_525 : memref<25x80xi32, #tpu.memory_space<hbm>>) target(%arg6 : memref<25x80xi32, #tpu.memory_space<vmem>>) target_semaphore(%run_scoped3A : memref<!tpu.dma_semaphore, #tpu.memory_space<semaphore_mem>>)
        %dma_wait3A_526 = arith.constant 0 : i32
        %dma_wait3A_527 = tpu.memref_slice %arg3[%add3A, %mul3A_18, %dma_wait3A_526] : memref<32x125x80xi32, #tpu.memory_space<hbm>> -> memref<1x25x80xi32, #tpu.memory_space<hbm>>
        %dma_wait3A_528 = tpu.memref_squeeze %dma_wait3A_527 : memref<1x25x80xi32, #tpu.memory_space<hbm>> -> memref<25x80xi32, #tpu.memory_space<hbm>>
        %dma_wait3A_529 = arith.constant 0 : i32
        %dma_wait3A_530 = tpu.memref_slice %arg3[%add3A, %mul3A_18, %dma_wait3A_529] : memref<32x125x80xi32, #tpu.memory_space<hbm>> -> memref<1x25x80xi32, #tpu.memory_space<hbm>>
        %dma_wait3A_531 = tpu.memref_squeeze %dma_wait3A_530 : memref<1x25x80xi32, #tpu.memory_space<hbm>> -> memref<25x80xi32, #tpu.memory_space<hbm>>
        tpu.wait_dma2 semaphore(%run_scoped3A : memref<!tpu.dma_semaphore, #tpu.memory_space<semaphore_mem>>) src(%dma_wait3A_531 : memref<25x80xi32, #tpu.memory_space<hbm>>) dst(%arg6 : memref<25x80xi32, #tpu.memory_space<vmem>>)
        tpu.yield
      }) : () -> ()
      %mul3A_19 = arith.constant 2000 : i32
      %mul3A_20 = arith.muli %scan3A_16, %mul3A_19 : i32
      %add3A_21 = arith.addi %mul3A_4, %mul3A_20 : i32
      "tpu.region"() ({
        %run_scoped3A = tpu.sem_alloc : memref<!tpu.dma_semaphore, #tpu.memory_space<semaphore_mem>>
        %dma_start3A_520 = arith.constant 0 : i32
        %dma_start3A_521 = tpu.memref_slice %arg2[%add3A_21, %dma_start3A_520] : memref<320000x32xf32, #tpu.memory_space<hbm>> -> memref<2000x32xf32, #tpu.memory_space<hbm>>
        %dma_start3A_522 = arith.constant 0 : i32
        %dma_start3A_523 = tpu.memref_slice %arg2[%add3A_21, %dma_start3A_522] : memref<320000x32xf32, #tpu.memory_space<hbm>> -> memref<2000x32xf32, #tpu.memory_space<hbm>>
        tpu.enqueue_dma source(%dma_start3A_523 : memref<2000x32xf32, #tpu.memory_space<hbm>>) target(%arg7 : memref<2000x32xf32, #tpu.memory_space<vmem>>) target_semaphore(%run_scoped3A : memref<!tpu.dma_semaphore, #tpu.memory_space<semaphore_mem>>)
        %dma_wait3A_524 = arith.constant 0 : i32
        %dma_wait3A_525 = tpu.memref_slice %arg2[%add3A_21, %dma_wait3A_524] : memref<320000x32xf32, #tpu.memory_space<hbm>> -> memref<2000x32xf32, #tpu.memory_space<hbm>>
        %dma_wait3A_526 = arith.constant 0 : i32
        %dma_wait3A_527 = tpu.memref_slice %arg2[%add3A_21, %dma_wait3A_526] : memref<320000x32xf32, #tpu.memory_space<hbm>> -> memref<2000x32xf32, #tpu.memory_space<hbm>>
        tpu.wait_dma2 semaphore(%run_scoped3A : memref<!tpu.dma_semaphore, #tpu.memory_space<semaphore_mem>>) src(%dma_wait3A_527 : memref<2000x32xf32, #tpu.memory_space<hbm>>) dst(%arg7 : memref<2000x32xf32, #tpu.memory_space<vmem>>)
        tpu.yield
      }) : () -> ()
      %dma_start3A = arith.constant 0 : i32
      %dma_start3A_22 = arith.constant 0 : i32
      %dma_start3A_23 = arith.constant 0 : i32
      %dma_start3A_24 = tpu.memref_slice %arg7[%dma_start3A_22, %dma_start3A_23] : memref<2000x32xf32, #tpu.memory_space<vmem>> -> memref<80x32xf32, #tpu.memory_space<vmem>>
      %dma_start3A_25 = arith.constant 0 : i32
      %dma_start3A_26 = tpu.memref_slice %arg6[%dma_start3A, %dma_start3A_25] : memref<25x80xi32, #tpu.memory_space<vmem>> -> memref<1x80xi32, #tpu.memory_space<vmem>>
      %dma_start3A_27 = tpu.memref_squeeze %dma_start3A_26 : memref<1x80xi32, #tpu.memory_space<vmem>> -> memref<80xi32, #tpu.memory_space<vmem>>
      %dma_start3A_28 = arith.constant 0 : i32
      %dma_start3A_29 = arith.constant 0 : i32
      %dma_start3A_30 = tpu.memref_slice %arg8[%dma_start3A_28, %dma_start3A_29] : memref<10000x32xf32, #tpu.memory_space<vmem_shared>> -> memref<10000x32xf32, #tpu.memory_space<vmem_shared>>
      tpu.enqueue_indirect_dma source(%dma_start3A_24 : memref<80x32xf32, #tpu.memory_space<vmem>>) target(%dma_start3A_30 : memref<10000x32xf32, #tpu.memory_space<vmem_shared>>) offsets(%dma_start3A_27 : memref<80xi32, #tpu.memory_space<vmem>>) semaphore(%arg9 : memref<!tpu.dma_semaphore, #tpu.memory_space<semaphore_mem>>) {add = true}
      %dma_start3A_31 = arith.constant 1 : i32
      %dma_start3A_32 = arith.constant 80 : i32
      %dma_start3A_33 = arith.constant 0 : i32
      %dma_start3A_34 = tpu.memref_slice %arg7[%dma_start3A_32, %dma_start3A_33] : memref<2000x32xf32, #tpu.memory_space<vmem>> -> memref<80x32xf32, #tpu.memory_space<vmem>>
      %dma_start3A_35 = arith.constant 0 : i32
      %dma_start3A_36 = tpu.memref_slice %arg6[%dma_start3A_31, %dma_start3A_35] : memref<25x80xi32, #tpu.memory_space<vmem>> -> memref<1x80xi32, #tpu.memory_space<vmem>>
      %dma_start3A_37 = tpu.memref_squeeze %dma_start3A_36 : memref<1x80xi32, #tpu.memory_space<vmem>> -> memref<80xi32, #tpu.memory_space<vmem>>
      %dma_start3A_38 = arith.constant 0 : i32
      %dma_start3A_39 = arith.constant 0 : i32
      %dma_start3A_40 = tpu.memref_slice %arg8[%dma_start3A_38, %dma_start3A_39] : memref<10000x32xf32, #tpu.memory_space<vmem_shared>> -> memref<10000x32xf32, #tpu.memory_space<vmem_shared>>
      tpu.enqueue_indirect_dma source(%dma_start3A_34 : memref<80x32xf32, #tpu.memory_space<vmem>>) target(%dma_start3A_40 : memref<10000x32xf32, #tpu.memory_space<vmem_shared>>) offsets(%dma_start3A_37 : memref<80xi32, #tpu.memory_space<vmem>>) semaphore(%arg9 : memref<!tpu.dma_semaphore, #tpu.memory_space<semaphore_mem>>) {add = true}
      %dma_start3A_41 = arith.constant 2 : i32
      %dma_start3A_42 = arith.constant 160 : i32
      %dma_start3A_43 = arith.constant 0 : i32
      %dma_start3A_44 = tpu.memref_slice %arg7[%dma_start3A_42, %dma_start3A_43] : memref<2000x32xf32, #tpu.memory_space<vmem>> -> memref<80x32xf32, #tpu.memory_space<vmem>>
      %dma_start3A_45 = arith.constant 0 : i32
      %dma_start3A_46 = tpu.memref_slice %arg6[%dma_start3A_41, %dma_start3A_45] : memref<25x80xi32, #tpu.memory_space<vmem>> -> memref<1x80xi32, #tpu.memory_space<vmem>>
      %dma_start3A_47 = tpu.memref_squeeze %dma_start3A_46 : memref<1x80xi32, #tpu.memory_space<vmem>> -> memref<80xi32, #tpu.memory_space<vmem>>
      %dma_start3A_48 = arith.constant 0 : i32
      %dma_start3A_49 = arith.constant 0 : i32
      %dma_start3A_50 = tpu.memref_slice %arg8[%dma_start3A_48, %dma_start3A_49] : memref<10000x32xf32, #tpu.memory_space<vmem_shared>> -> memref<10000x32xf32, #tpu.memory_space<vmem_shared>>
      tpu.enqueue_indirect_dma source(%dma_start3A_44 : memref<80x32xf32, #tpu.memory_space<vmem>>) target(%dma_start3A_50 : memref<10000x32xf32, #tpu.memory_space<vmem_shared>>) offsets(%dma_start3A_47 : memref<80xi32, #tpu.memory_space<vmem>>) semaphore(%arg9 : memref<!tpu.dma_semaphore, #tpu.memory_space<semaphore_mem>>) {add = true}
      %dma_start3A_51 = arith.constant 3 : i32
      %dma_start3A_52 = arith.constant 240 : i32
      %dma_start3A_53 = arith.constant 0 : i32
      %dma_start3A_54 = tpu.memref_slice %arg7[%dma_start3A_52, %dma_start3A_53] : memref<2000x32xf32, #tpu.memory_space<vmem>> -> memref<80x32xf32, #tpu.memory_space<vmem>>
      %dma_start3A_55 = arith.constant 0 : i32
      %dma_start3A_56 = tpu.memref_slice %arg6[%dma_start3A_51, %dma_start3A_55] : memref<25x80xi32, #tpu.memory_space<vmem>> -> memref<1x80xi32, #tpu.memory_space<vmem>>
      %dma_start3A_57 = tpu.memref_squeeze %dma_start3A_56 : memref<1x80xi32, #tpu.memory_space<vmem>> -> memref<80xi32, #tpu.memory_space<vmem>>
      %dma_start3A_58 = arith.constant 0 : i32
      %dma_start3A_59 = arith.constant 0 : i32
      %dma_start3A_60 = tpu.memref_slice %arg8[%dma_start3A_58, %dma_start3A_59] : memref<10000x32xf32, #tpu.memory_space<vmem_shared>> -> memref<10000x32xf32, #tpu.memory_space<vmem_shared>>
      tpu.enqueue_indirect_dma source(%dma_start3A_54 : memref<80x32xf32, #tpu.memory_space<vmem>>) target(%dma_start3A_60 : memref<10000x32xf32, #tpu.memory_space<vmem_shared>>) offsets(%dma_start3A_57 : memref<80xi32, #tpu.memory_space<vmem>>) semaphore(%arg9 : memref<!tpu.dma_semaphore, #tpu.memory_space<semaphore_mem>>) {add = true}
      %dma_start3A_61 = arith.constant 4 : i32
      %dma_start3A_62 = arith.constant 320 : i32
      %dma_start3A_63 = arith.constant 0 : i32
      %dma_start3A_64 = tpu.memref_slice %arg7[%dma_start3A_62, %dma_start3A_63] : memref<2000x32xf32, #tpu.memory_space<vmem>> -> memref<80x32xf32, #tpu.memory_space<vmem>>
      %dma_start3A_65 = arith.constant 0 : i32
      %dma_start3A_66 = tpu.memref_slice %arg6[%dma_start3A_61, %dma_start3A_65] : memref<25x80xi32, #tpu.memory_space<vmem>> -> memref<1x80xi32, #tpu.memory_space<vmem>>
      %dma_start3A_67 = tpu.memref_squeeze %dma_start3A_66 : memref<1x80xi32, #tpu.memory_space<vmem>> -> memref<80xi32, #tpu.memory_space<vmem>>
      %dma_start3A_68 = arith.constant 0 : i32
      %dma_start3A_69 = arith.constant 0 : i32
      %dma_start3A_70 = tpu.memref_slice %arg8[%dma_start3A_68, %dma_start3A_69] : memref<10000x32xf32, #tpu.memory_space<vmem_shared>> -> memref<10000x32xf32, #tpu.memory_space<vmem_shared>>
      tpu.enqueue_indirect_dma source(%dma_start3A_64 : memref<80x32xf32, #tpu.memory_space<vmem>>) target(%dma_start3A_70 : memref<10000x32xf32, #tpu.memory_space<vmem_shared>>) offsets(%dma_start3A_67 : memref<80xi32, #tpu.memory_space<vmem>>) semaphore(%arg9 : memref<!tpu.dma_semaphore, #tpu.memory_space<semaphore_mem>>) {add = true}
      %dma_start3A_71 = arith.constant 5 : i32
      %dma_start3A_72 = arith.constant 400 : i32
      %dma_start3A_73 = arith.constant 0 : i32
      %dma_start3A_74 = tpu.memref_slice %arg7[%dma_start3A_72, %dma_start3A_73] : memref<2000x32xf32, #tpu.memory_space<vmem>> -> memref<80x32xf32, #tpu.memory_space<vmem>>
      %dma_start3A_75 = arith.constant 0 : i32
      %dma_start3A_76 = tpu.memref_slice %arg6[%dma_start3A_71, %dma_start3A_75] : memref<25x80xi32, #tpu.memory_space<vmem>> -> memref<1x80xi32, #tpu.memory_space<vmem>>
      %dma_start3A_77 = tpu.memref_squeeze %dma_start3A_76 : memref<1x80xi32, #tpu.memory_space<vmem>> -> memref<80xi32, #tpu.memory_space<vmem>>
      %dma_start3A_78 = arith.constant 0 : i32
      %dma_start3A_79 = arith.constant 0 : i32
      %dma_start3A_80 = tpu.memref_slice %arg8[%dma_start3A_78, %dma_start3A_79] : memref<10000x32xf32, #tpu.memory_space<vmem_shared>> -> memref<10000x32xf32, #tpu.memory_space<vmem_shared>>
      tpu.enqueue_indirect_dma source(%dma_start3A_74 : memref<80x32xf32, #tpu.memory_space<vmem>>) target(%dma_start3A_80 : memref<10000x32xf32, #tpu.memory_space<vmem_shared>>) offsets(%dma_start3A_77 : memref<80xi32, #tpu.memory_space<vmem>>) semaphore(%arg9 : memref<!tpu.dma_semaphore, #tpu.memory_space<semaphore_mem>>) {add = true}
      %dma_start3A_81 = arith.constant 6 : i32
      %dma_start3A_82 = arith.constant 480 : i32
      %dma_start3A_83 = arith.constant 0 : i32
      %dma_start3A_84 = tpu.memref_slice %arg7[%dma_start3A_82, %dma_start3A_83] : memref<2000x32xf32, #tpu.memory_space<vmem>> -> memref<80x32xf32, #tpu.memory_space<vmem>>
      %dma_start3A_85 = arith.constant 0 : i32
      %dma_start3A_86 = tpu.memref_slice %arg6[%dma_start3A_81, %dma_start3A_85] : memref<25x80xi32, #tpu.memory_space<vmem>> -> memref<1x80xi32, #tpu.memory_space<vmem>>
      %dma_start3A_87 = tpu.memref_squeeze %dma_start3A_86 : memref<1x80xi32, #tpu.memory_space<vmem>> -> memref<80xi32, #tpu.memory_space<vmem>>
      %dma_start3A_88 = arith.constant 0 : i32
      %dma_start3A_89 = arith.constant 0 : i32
      %dma_start3A_90 = tpu.memref_slice %arg8[%dma_start3A_88, %dma_start3A_89] : memref<10000x32xf32, #tpu.memory_space<vmem_shared>> -> memref<10000x32xf32, #tpu.memory_space<vmem_shared>>
      tpu.enqueue_indirect_dma source(%dma_start3A_84 : memref<80x32xf32, #tpu.memory_space<vmem>>) target(%dma_start3A_90 : memref<10000x32xf32, #tpu.memory_space<vmem_shared>>) offsets(%dma_start3A_87 : memref<80xi32, #tpu.memory_space<vmem>>) semaphore(%arg9 : memref<!tpu.dma_semaphore, #tpu.memory_space<semaphore_mem>>) {add = true}
      %dma_start3A_91 = arith.constant 7 : i32
      %dma_start3A_92 = arith.constant 560 : i32
      %dma_start3A_93 = arith.constant 0 : i32
      %dma_start3A_94 = tpu.memref_slice %arg7[%dma_start3A_92, %dma_start3A_93] : memref<2000x32xf32, #tpu.memory_space<vmem>> -> memref<80x32xf32, #tpu.memory_space<vmem>>
      %dma_start3A_95 = arith.constant 0 : i32
      %dma_start3A_96 = tpu.memref_slice %arg6[%dma_start3A_91, %dma_start3A_95] : memref<25x80xi32, #tpu.memory_space<vmem>> -> memref<1x80xi32, #tpu.memory_space<vmem>>
      %dma_start3A_97 = tpu.memref_squeeze %dma_start3A_96 : memref<1x80xi32, #tpu.memory_space<vmem>> -> memref<80xi32, #tpu.memory_space<vmem>>
      %dma_start3A_98 = arith.constant 0 : i32
      %dma_start3A_99 = arith.constant 0 : i32
      %dma_start3A_100 = tpu.memref_slice %arg8[%dma_start3A_98, %dma_start3A_99] : memref<10000x32xf32, #tpu.memory_space<vmem_shared>> -> memref<10000x32xf32, #tpu.memory_space<vmem_shared>>
      tpu.enqueue_indirect_dma source(%dma_start3A_94 : memref<80x32xf32, #tpu.memory_space<vmem>>) target(%dma_start3A_100 : memref<10000x32xf32, #tpu.memory_space<vmem_shared>>) offsets(%dma_start3A_97 : memref<80xi32, #tpu.memory_space<vmem>>) semaphore(%arg9 : memref<!tpu.dma_semaphore, #tpu.memory_space<semaphore_mem>>) {add = true}
      %dma_start3A_101 = arith.constant 8 : i32
      %dma_start3A_102 = arith.constant 640 : i32
      %dma_start3A_103 = arith.constant 0 : i32
      %dma_start3A_104 = tpu.memref_slice %arg7[%dma_start3A_102, %dma_start3A_103] : memref<2000x32xf32, #tpu.memory_space<vmem>> -> memref<80x32xf32, #tpu.memory_space<vmem>>
      %dma_start3A_105 = arith.constant 0 : i32
      %dma_start3A_106 = tpu.memref_slice %arg6[%dma_start3A_101, %dma_start3A_105] : memref<25x80xi32, #tpu.memory_space<vmem>> -> memref<1x80xi32, #tpu.memory_space<vmem>>
      %dma_start3A_107 = tpu.memref_squeeze %dma_start3A_106 : memref<1x80xi32, #tpu.memory_space<vmem>> -> memref<80xi32, #tpu.memory_space<vmem>>
      %dma_start3A_108 = arith.constant 0 : i32
      %dma_start3A_109 = arith.constant 0 : i32
      %dma_start3A_110 = tpu.memref_slice %arg8[%dma_start3A_108, %dma_start3A_109] : memref<10000x32xf32, #tpu.memory_space<vmem_shared>> -> memref<10000x32xf32, #tpu.memory_space<vmem_shared>>
      tpu.enqueue_indirect_dma source(%dma_start3A_104 : memref<80x32xf32, #tpu.memory_space<vmem>>) target(%dma_start3A_110 : memref<10000x32xf32, #tpu.memory_space<vmem_shared>>) offsets(%dma_start3A_107 : memref<80xi32, #tpu.memory_space<vmem>>) semaphore(%arg9 : memref<!tpu.dma_semaphore, #tpu.memory_space<semaphore_mem>>) {add = true}
      %dma_start3A_111 = arith.constant 9 : i32
      %dma_start3A_112 = arith.constant 720 : i32
      %dma_start3A_113 = arith.constant 0 : i32
      %dma_start3A_114 = tpu.memref_slice %arg7[%dma_start3A_112, %dma_start3A_113] : memref<2000x32xf32, #tpu.memory_space<vmem>> -> memref<80x32xf32, #tpu.memory_space<vmem>>
      %dma_start3A_115 = arith.constant 0 : i32
      %dma_start3A_116 = tpu.memref_slice %arg6[%dma_start3A_111, %dma_start3A_115] : memref<25x80xi32, #tpu.memory_space<vmem>> -> memref<1x80xi32, #tpu.memory_space<vmem>>
      %dma_start3A_117 = tpu.memref_squeeze %dma_start3A_116 : memref<1x80xi32, #tpu.memory_space<vmem>> -> memref<80xi32, #tpu.memory_space<vmem>>
      %dma_start3A_118 = arith.constant 0 : i32
      %dma_start3A_119 = arith.constant 0 : i32
      %dma_start3A_120 = tpu.memref_slice %arg8[%dma_start3A_118, %dma_start3A_119] : memref<10000x32xf32, #tpu.memory_space<vmem_shared>> -> memref<10000x32xf32, #tpu.memory_space<vmem_shared>>
      tpu.enqueue_indirect_dma source(%dma_start3A_114 : memref<80x32xf32, #tpu.memory_space<vmem>>) target(%dma_start3A_120 : memref<10000x32xf32, #tpu.memory_space<vmem_shared>>) offsets(%dma_start3A_117 : memref<80xi32, #tpu.memory_space<vmem>>) semaphore(%arg9 : memref<!tpu.dma_semaphore, #tpu.memory_space<semaphore_mem>>) {add = true}
      %dma_start3A_121 = arith.constant 10 : i32
      %dma_start3A_122 = arith.constant 800 : i32
      %dma_start3A_123 = arith.constant 0 : i32
      %dma_start3A_124 = tpu.memref_slice %arg7[%dma_start3A_122, %dma_start3A_123] : memref<2000x32xf32, #tpu.memory_space<vmem>> -> memref<80x32xf32, #tpu.memory_space<vmem>>
      %dma_start3A_125 = arith.constant 0 : i32
      %dma_start3A_126 = tpu.memref_slice %arg6[%dma_start3A_121, %dma_start3A_125] : memref<25x80xi32, #tpu.memory_space<vmem>> -> memref<1x80xi32, #tpu.memory_space<vmem>>
      %dma_start3A_127 = tpu.memref_squeeze %dma_start3A_126 : memref<1x80xi32, #tpu.memory_space<vmem>> -> memref<80xi32, #tpu.memory_space<vmem>>
      %dma_start3A_128 = arith.constant 0 : i32
      %dma_start3A_129 = arith.constant 0 : i32
      %dma_start3A_130 = tpu.memref_slice %arg8[%dma_start3A_128, %dma_start3A_129] : memref<10000x32xf32, #tpu.memory_space<vmem_shared>> -> memref<10000x32xf32, #tpu.memory_space<vmem_shared>>
      tpu.enqueue_indirect_dma source(%dma_start3A_124 : memref<80x32xf32, #tpu.memory_space<vmem>>) target(%dma_start3A_130 : memref<10000x32xf32, #tpu.memory_space<vmem_shared>>) offsets(%dma_start3A_127 : memref<80xi32, #tpu.memory_space<vmem>>) semaphore(%arg9 : memref<!tpu.dma_semaphore, #tpu.memory_space<semaphore_mem>>) {add = true}
      %dma_start3A_131 = arith.constant 11 : i32
      %dma_start3A_132 = arith.constant 880 : i32
      %dma_start3A_133 = arith.constant 0 : i32
      %dma_start3A_134 = tpu.memref_slice %arg7[%dma_start3A_132, %dma_start3A_133] : memref<2000x32xf32, #tpu.memory_space<vmem>> -> memref<80x32xf32, #tpu.memory_space<vmem>>
      %dma_start3A_135 = arith.constant 0 : i32
      %dma_start3A_136 = tpu.memref_slice %arg6[%dma_start3A_131, %dma_start3A_135] : memref<25x80xi32, #tpu.memory_space<vmem>> -> memref<1x80xi32, #tpu.memory_space<vmem>>
      %dma_start3A_137 = tpu.memref_squeeze %dma_start3A_136 : memref<1x80xi32, #tpu.memory_space<vmem>> -> memref<80xi32, #tpu.memory_space<vmem>>
      %dma_start3A_138 = arith.constant 0 : i32
      %dma_start3A_139 = arith.constant 0 : i32
      %dma_start3A_140 = tpu.memref_slice %arg8[%dma_start3A_138, %dma_start3A_139] : memref<10000x32xf32, #tpu.memory_space<vmem_shared>> -> memref<10000x32xf32, #tpu.memory_space<vmem_shared>>
      tpu.enqueue_indirect_dma source(%dma_start3A_134 : memref<80x32xf32, #tpu.memory_space<vmem>>) target(%dma_start3A_140 : memref<10000x32xf32, #tpu.memory_space<vmem_shared>>) offsets(%dma_start3A_137 : memref<80xi32, #tpu.memory_space<vmem>>) semaphore(%arg9 : memref<!tpu.dma_semaphore, #tpu.memory_space<semaphore_mem>>) {add = true}
      %dma_start3A_141 = arith.constant 12 : i32
      %dma_start3A_142 = arith.constant 960 : i32
      %dma_start3A_143 = arith.constant 0 : i32
      %dma_start3A_144 = tpu.memref_slice %arg7[%dma_start3A_142, %dma_start3A_143] : memref<2000x32xf32, #tpu.memory_space<vmem>> -> memref<80x32xf32, #tpu.memory_space<vmem>>
      %dma_start3A_145 = arith.constant 0 : i32
      %dma_start3A_146 = tpu.memref_slice %arg6[%dma_start3A_141, %dma_start3A_145] : memref<25x80xi32, #tpu.memory_space<vmem>> -> memref<1x80xi32, #tpu.memory_space<vmem>>
      %dma_start3A_147 = tpu.memref_squeeze %dma_start3A_146 : memref<1x80xi32, #tpu.memory_space<vmem>> -> memref<80xi32, #tpu.memory_space<vmem>>
      %dma_start3A_148 = arith.constant 0 : i32
      %dma_start3A_149 = arith.constant 0 : i32
      %dma_start3A_150 = tpu.memref_slice %arg8[%dma_start3A_148, %dma_start3A_149] : memref<10000x32xf32, #tpu.memory_space<vmem_shared>> -> memref<10000x32xf32, #tpu.memory_space<vmem_shared>>
      tpu.enqueue_indirect_dma source(%dma_start3A_144 : memref<80x32xf32, #tpu.memory_space<vmem>>) target(%dma_start3A_150 : memref<10000x32xf32, #tpu.memory_space<vmem_shared>>) offsets(%dma_start3A_147 : memref<80xi32, #tpu.memory_space<vmem>>) semaphore(%arg9 : memref<!tpu.dma_semaphore, #tpu.memory_space<semaphore_mem>>) {add = true}
      %dma_start3A_151 = arith.constant 13 : i32
      %dma_start3A_152 = arith.constant 1040 : i32
      %dma_start3A_153 = arith.constant 0 : i32
      %dma_start3A_154 = tpu.memref_slice %arg7[%dma_start3A_152, %dma_start3A_153] : memref<2000x32xf32, #tpu.memory_space<vmem>> -> memref<80x32xf32, #tpu.memory_space<vmem>>
      %dma_start3A_155 = arith.constant 0 : i32
      %dma_start3A_156 = tpu.memref_slice %arg6[%dma_start3A_151, %dma_start3A_155] : memref<25x80xi32, #tpu.memory_space<vmem>> -> memref<1x80xi32, #tpu.memory_space<vmem>>
      %dma_start3A_157 = tpu.memref_squeeze %dma_start3A_156 : memref<1x80xi32, #tpu.memory_space<vmem>> -> memref<80xi32, #tpu.memory_space<vmem>>
      %dma_start3A_158 = arith.constant 0 : i32
      %dma_start3A_159 = arith.constant 0 : i32
      %dma_start3A_160 = tpu.memref_slice %arg8[%dma_start3A_158, %dma_start3A_159] : memref<10000x32xf32, #tpu.memory_space<vmem_shared>> -> memref<10000x32xf32, #tpu.memory_space<vmem_shared>>
      tpu.enqueue_indirect_dma source(%dma_start3A_154 : memref<80x32xf32, #tpu.memory_space<vmem>>) target(%dma_start3A_160 : memref<10000x32xf32, #tpu.memory_space<vmem_shared>>) offsets(%dma_start3A_157 : memref<80xi32, #tpu.memory_space<vmem>>) semaphore(%arg9 : memref<!tpu.dma_semaphore, #tpu.memory_space<semaphore_mem>>) {add = true}
      %dma_start3A_161 = arith.constant 14 : i32
      %dma_start3A_162 = arith.constant 1120 : i32
      %dma_start3A_163 = arith.constant 0 : i32
      %dma_start3A_164 = tpu.memref_slice %arg7[%dma_start3A_162, %dma_start3A_163] : memref<2000x32xf32, #tpu.memory_space<vmem>> -> memref<80x32xf32, #tpu.memory_space<vmem>>
      %dma_start3A_165 = arith.constant 0 : i32
      %dma_start3A_166 = tpu.memref_slice %arg6[%dma_start3A_161, %dma_start3A_165] : memref<25x80xi32, #tpu.memory_space<vmem>> -> memref<1x80xi32, #tpu.memory_space<vmem>>
      %dma_start3A_167 = tpu.memref_squeeze %dma_start3A_166 : memref<1x80xi32, #tpu.memory_space<vmem>> -> memref<80xi32, #tpu.memory_space<vmem>>
      %dma_start3A_168 = arith.constant 0 : i32
      %dma_start3A_169 = arith.constant 0 : i32
      %dma_start3A_170 = tpu.memref_slice %arg8[%dma_start3A_168, %dma_start3A_169] : memref<10000x32xf32, #tpu.memory_space<vmem_shared>> -> memref<10000x32xf32, #tpu.memory_space<vmem_shared>>
      tpu.enqueue_indirect_dma source(%dma_start3A_164 : memref<80x32xf32, #tpu.memory_space<vmem>>) target(%dma_start3A_170 : memref<10000x32xf32, #tpu.memory_space<vmem_shared>>) offsets(%dma_start3A_167 : memref<80xi32, #tpu.memory_space<vmem>>) semaphore(%arg9 : memref<!tpu.dma_semaphore, #tpu.memory_space<semaphore_mem>>) {add = true}
      %dma_start3A_171 = arith.constant 15 : i32
      %dma_start3A_172 = arith.constant 1200 : i32
      %dma_start3A_173 = arith.constant 0 : i32
      %dma_start3A_174 = tpu.memref_slice %arg7[%dma_start3A_172, %dma_start3A_173] : memref<2000x32xf32, #tpu.memory_space<vmem>> -> memref<80x32xf32, #tpu.memory_space<vmem>>
      %dma_start3A_175 = arith.constant 0 : i32
      %dma_start3A_176 = tpu.memref_slice %arg6[%dma_start3A_171, %dma_start3A_175] : memref<25x80xi32, #tpu.memory_space<vmem>> -> memref<1x80xi32, #tpu.memory_space<vmem>>
      %dma_start3A_177 = tpu.memref_squeeze %dma_start3A_176 : memref<1x80xi32, #tpu.memory_space<vmem>> -> memref<80xi32, #tpu.memory_space<vmem>>
      %dma_start3A_178 = arith.constant 0 : i32
      %dma_start3A_179 = arith.constant 0 : i32
      %dma_start3A_180 = tpu.memref_slice %arg8[%dma_start3A_178, %dma_start3A_179] : memref<10000x32xf32, #tpu.memory_space<vmem_shared>> -> memref<10000x32xf32, #tpu.memory_space<vmem_shared>>
      tpu.enqueue_indirect_dma source(%dma_start3A_174 : memref<80x32xf32, #tpu.memory_space<vmem>>) target(%dma_start3A_180 : memref<10000x32xf32, #tpu.memory_space<vmem_shared>>) offsets(%dma_start3A_177 : memref<80xi32, #tpu.memory_space<vmem>>) semaphore(%arg9 : memref<!tpu.dma_semaphore, #tpu.memory_space<semaphore_mem>>) {add = true}
      %dma_start3A_181 = arith.constant 16 : i32
      %dma_start3A_182 = arith.constant 1280 : i32
      %dma_start3A_183 = arith.constant 0 : i32
      %dma_start3A_184 = tpu.memref_slice %arg7[%dma_start3A_182, %dma_start3A_183] : memref<2000x32xf32, #tpu.memory_space<vmem>> -> memref<80x32xf32, #tpu.memory_space<vmem>>
      %dma_start3A_185 = arith.constant 0 : i32
      %dma_start3A_186 = tpu.memref_slice %arg6[%dma_start3A_181, %dma_start3A_185] : memref<25x80xi32, #tpu.memory_space<vmem>> -> memref<1x80xi32, #tpu.memory_space<vmem>>
      %dma_start3A_187 = tpu.memref_squeeze %dma_start3A_186 : memref<1x80xi32, #tpu.memory_space<vmem>> -> memref<80xi32, #tpu.memory_space<vmem>>
      %dma_start3A_188 = arith.constant 0 : i32
      %dma_start3A_189 = arith.constant 0 : i32
      %dma_start3A_190 = tpu.memref_slice %arg8[%dma_start3A_188, %dma_start3A_189] : memref<10000x32xf32, #tpu.memory_space<vmem_shared>> -> memref<10000x32xf32, #tpu.memory_space<vmem_shared>>
      tpu.enqueue_indirect_dma source(%dma_start3A_184 : memref<80x32xf32, #tpu.memory_space<vmem>>) target(%dma_start3A_190 : memref<10000x32xf32, #tpu.memory_space<vmem_shared>>) offsets(%dma_start3A_187 : memref<80xi32, #tpu.memory_space<vmem>>) semaphore(%arg9 : memref<!tpu.dma_semaphore, #tpu.memory_space<semaphore_mem>>) {add = true}
      %dma_start3A_191 = arith.constant 17 : i32
      %dma_start3A_192 = arith.constant 1360 : i32
      %dma_start3A_193 = arith.constant 0 : i32
      %dma_start3A_194 = tpu.memref_slice %arg7[%dma_start3A_192, %dma_start3A_193] : memref<2000x32xf32, #tpu.memory_space<vmem>> -> memref<80x32xf32, #tpu.memory_space<vmem>>
      %dma_start3A_195 = arith.constant 0 : i32
      %dma_start3A_196 = tpu.memref_slice %arg6[%dma_start3A_191, %dma_start3A_195] : memref<25x80xi32, #tpu.memory_space<vmem>> -> memref<1x80xi32, #tpu.memory_space<vmem>>
      %dma_start3A_197 = tpu.memref_squeeze %dma_start3A_196 : memref<1x80xi32, #tpu.memory_space<vmem>> -> memref<80xi32, #tpu.memory_space<vmem>>
      %dma_start3A_198 = arith.constant 0 : i32
      %dma_start3A_199 = arith.constant 0 : i32
      %dma_start3A_200 = tpu.memref_slice %arg8[%dma_start3A_198, %dma_start3A_199] : memref<10000x32xf32, #tpu.memory_space<vmem_shared>> -> memref<10000x32xf32, #tpu.memory_space<vmem_shared>>
      tpu.enqueue_indirect_dma source(%dma_start3A_194 : memref<80x32xf32, #tpu.memory_space<vmem>>) target(%dma_start3A_200 : memref<10000x32xf32, #tpu.memory_space<vmem_shared>>) offsets(%dma_start3A_197 : memref<80xi32, #tpu.memory_space<vmem>>) semaphore(%arg9 : memref<!tpu.dma_semaphore, #tpu.memory_space<semaphore_mem>>) {add = true}
      %dma_start3A_201 = arith.constant 18 : i32
      %dma_start3A_202 = arith.constant 1440 : i32
      %dma_start3A_203 = arith.constant 0 : i32
      %dma_start3A_204 = tpu.memref_slice %arg7[%dma_start3A_202, %dma_start3A_203] : memref<2000x32xf32, #tpu.memory_space<vmem>> -> memref<80x32xf32, #tpu.memory_space<vmem>>
      %dma_start3A_205 = arith.constant 0 : i32
      %dma_start3A_206 = tpu.memref_slice %arg6[%dma_start3A_201, %dma_start3A_205] : memref<25x80xi32, #tpu.memory_space<vmem>> -> memref<1x80xi32, #tpu.memory_space<vmem>>
      %dma_start3A_207 = tpu.memref_squeeze %dma_start3A_206 : memref<1x80xi32, #tpu.memory_space<vmem>> -> memref<80xi32, #tpu.memory_space<vmem>>
      %dma_start3A_208 = arith.constant 0 : i32
      %dma_start3A_209 = arith.constant 0 : i32
      %dma_start3A_210 = tpu.memref_slice %arg8[%dma_start3A_208, %dma_start3A_209] : memref<10000x32xf32, #tpu.memory_space<vmem_shared>> -> memref<10000x32xf32, #tpu.memory_space<vmem_shared>>
      tpu.enqueue_indirect_dma source(%dma_start3A_204 : memref<80x32xf32, #tpu.memory_space<vmem>>) target(%dma_start3A_210 : memref<10000x32xf32, #tpu.memory_space<vmem_shared>>) offsets(%dma_start3A_207 : memref<80xi32, #tpu.memory_space<vmem>>) semaphore(%arg9 : memref<!tpu.dma_semaphore, #tpu.memory_space<semaphore_mem>>) {add = true}
      %dma_start3A_211 = arith.constant 19 : i32
      %dma_start3A_212 = arith.constant 1520 : i32
      %dma_start3A_213 = arith.constant 0 : i32
      %dma_start3A_214 = tpu.memref_slice %arg7[%dma_start3A_212, %dma_start3A_213] : memref<2000x32xf32, #tpu.memory_space<vmem>> -> memref<80x32xf32, #tpu.memory_space<vmem>>
      %dma_start3A_215 = arith.constant 0 : i32
      %dma_start3A_216 = tpu.memref_slice %arg6[%dma_start3A_211, %dma_start3A_215] : memref<25x80xi32, #tpu.memory_space<vmem>> -> memref<1x80xi32, #tpu.memory_space<vmem>>
      %dma_start3A_217 = tpu.memref_squeeze %dma_start3A_216 : memref<1x80xi32, #tpu.memory_space<vmem>> -> memref<80xi32, #tpu.memory_space<vmem>>
      %dma_start3A_218 = arith.constant 0 : i32
      %dma_start3A_219 = arith.constant 0 : i32
      %dma_start3A_220 = tpu.memref_slice %arg8[%dma_start3A_218, %dma_start3A_219] : memref<10000x32xf32, #tpu.memory_space<vmem_shared>> -> memref<10000x32xf32, #tpu.memory_space<vmem_shared>>
      tpu.enqueue_indirect_dma source(%dma_start3A_214 : memref<80x32xf32, #tpu.memory_space<vmem>>) target(%dma_start3A_220 : memref<10000x32xf32, #tpu.memory_space<vmem_shared>>) offsets(%dma_start3A_217 : memref<80xi32, #tpu.memory_space<vmem>>) semaphore(%arg9 : memref<!tpu.dma_semaphore, #tpu.memory_space<semaphore_mem>>) {add = true}
      %dma_start3A_221 = arith.constant 20 : i32
      %dma_start3A_222 = arith.constant 1600 : i32
      %dma_start3A_223 = arith.constant 0 : i32
      %dma_start3A_224 = tpu.memref_slice %arg7[%dma_start3A_222, %dma_start3A_223] : memref<2000x32xf32, #tpu.memory_space<vmem>> -> memref<80x32xf32, #tpu.memory_space<vmem>>
      %dma_start3A_225 = arith.constant 0 : i32
      %dma_start3A_226 = tpu.memref_slice %arg6[%dma_start3A_221, %dma_start3A_225] : memref<25x80xi32, #tpu.memory_space<vmem>> -> memref<1x80xi32, #tpu.memory_space<vmem>>
      %dma_start3A_227 = tpu.memref_squeeze %dma_start3A_226 : memref<1x80xi32, #tpu.memory_space<vmem>> -> memref<80xi32, #tpu.memory_space<vmem>>
      %dma_start3A_228 = arith.constant 0 : i32
      %dma_start3A_229 = arith.constant 0 : i32
      %dma_start3A_230 = tpu.memref_slice %arg8[%dma_start3A_228, %dma_start3A_229] : memref<10000x32xf32, #tpu.memory_space<vmem_shared>> -> memref<10000x32xf32, #tpu.memory_space<vmem_shared>>
      tpu.enqueue_indirect_dma source(%dma_start3A_224 : memref<80x32xf32, #tpu.memory_space<vmem>>) target(%dma_start3A_230 : memref<10000x32xf32, #tpu.memory_space<vmem_shared>>) offsets(%dma_start3A_227 : memref<80xi32, #tpu.memory_space<vmem>>) semaphore(%arg9 : memref<!tpu.dma_semaphore, #tpu.memory_space<semaphore_mem>>) {add = true}
      %dma_start3A_231 = arith.constant 21 : i32
      %dma_start3A_232 = arith.constant 1680 : i32
      %dma_start3A_233 = arith.constant 0 : i32
      %dma_start3A_234 = tpu.memref_slice %arg7[%dma_start3A_232, %dma_start3A_233] : memref<2000x32xf32, #tpu.memory_space<vmem>> -> memref<80x32xf32, #tpu.memory_space<vmem>>
      %dma_start3A_235 = arith.constant 0 : i32
      %dma_start3A_236 = tpu.memref_slice %arg6[%dma_start3A_231, %dma_start3A_235] : memref<25x80xi32, #tpu.memory_space<vmem>> -> memref<1x80xi32, #tpu.memory_space<vmem>>
      %dma_start3A_237 = tpu.memref_squeeze %dma_start3A_236 : memref<1x80xi32, #tpu.memory_space<vmem>> -> memref<80xi32, #tpu.memory_space<vmem>>
      %dma_start3A_238 = arith.constant 0 : i32
      %dma_start3A_239 = arith.constant 0 : i32
      %dma_start3A_240 = tpu.memref_slice %arg8[%dma_start3A_238, %dma_start3A_239] : memref<10000x32xf32, #tpu.memory_space<vmem_shared>> -> memref<10000x32xf32, #tpu.memory_space<vmem_shared>>
      tpu.enqueue_indirect_dma source(%dma_start3A_234 : memref<80x32xf32, #tpu.memory_space<vmem>>) target(%dma_start3A_240 : memref<10000x32xf32, #tpu.memory_space<vmem_shared>>) offsets(%dma_start3A_237 : memref<80xi32, #tpu.memory_space<vmem>>) semaphore(%arg9 : memref<!tpu.dma_semaphore, #tpu.memory_space<semaphore_mem>>) {add = true}
      %dma_start3A_241 = arith.constant 22 : i32
      %dma_start3A_242 = arith.constant 1760 : i32
      %dma_start3A_243 = arith.constant 0 : i32
      %dma_start3A_244 = tpu.memref_slice %arg7[%dma_start3A_242, %dma_start3A_243] : memref<2000x32xf32, #tpu.memory_space<vmem>> -> memref<80x32xf32, #tpu.memory_space<vmem>>
      %dma_start3A_245 = arith.constant 0 : i32
      %dma_start3A_246 = tpu.memref_slice %arg6[%dma_start3A_241, %dma_start3A_245] : memref<25x80xi32, #tpu.memory_space<vmem>> -> memref<1x80xi32, #tpu.memory_space<vmem>>
      %dma_start3A_247 = tpu.memref_squeeze %dma_start3A_246 : memref<1x80xi32, #tpu.memory_space<vmem>> -> memref<80xi32, #tpu.memory_space<vmem>>
      %dma_start3A_248 = arith.constant 0 : i32
      %dma_start3A_249 = arith.constant 0 : i32
      %dma_start3A_250 = tpu.memref_slice %arg8[%dma_start3A_248, %dma_start3A_249] : memref<10000x32xf32, #tpu.memory_space<vmem_shared>> -> memref<10000x32xf32, #tpu.memory_space<vmem_shared>>
      tpu.enqueue_indirect_dma source(%dma_start3A_244 : memref<80x32xf32, #tpu.memory_space<vmem>>) target(%dma_start3A_250 : memref<10000x32xf32, #tpu.memory_space<vmem_shared>>) offsets(%dma_start3A_247 : memref<80xi32, #tpu.memory_space<vmem>>) semaphore(%arg9 : memref<!tpu.dma_semaphore, #tpu.memory_space<semaphore_mem>>) {add = true}
      %dma_start3A_251 = arith.constant 23 : i32
      %dma_start3A_252 = arith.constant 1840 : i32
      %dma_start3A_253 = arith.constant 0 : i32
      %dma_start3A_254 = tpu.memref_slice %arg7[%dma_start3A_252, %dma_start3A_253] : memref<2000x32xf32, #tpu.memory_space<vmem>> -> memref<80x32xf32, #tpu.memory_space<vmem>>
      %dma_start3A_255 = arith.constant 0 : i32
      %dma_start3A_256 = tpu.memref_slice %arg6[%dma_start3A_251, %dma_start3A_255] : memref<25x80xi32, #tpu.memory_space<vmem>> -> memref<1x80xi32, #tpu.memory_space<vmem>>
      %dma_start3A_257 = tpu.memref_squeeze %dma_start3A_256 : memref<1x80xi32, #tpu.memory_space<vmem>> -> memref<80xi32, #tpu.memory_space<vmem>>
      %dma_start3A_258 = arith.constant 0 : i32
      %dma_start3A_259 = arith.constant 0 : i32
      %dma_start3A_260 = tpu.memref_slice %arg8[%dma_start3A_258, %dma_start3A_259] : memref<10000x32xf32, #tpu.memory_space<vmem_shared>> -> memref<10000x32xf32, #tpu.memory_space<vmem_shared>>
      tpu.enqueue_indirect_dma source(%dma_start3A_254 : memref<80x32xf32, #tpu.memory_space<vmem>>) target(%dma_start3A_260 : memref<10000x32xf32, #tpu.memory_space<vmem_shared>>) offsets(%dma_start3A_257 : memref<80xi32, #tpu.memory_space<vmem>>) semaphore(%arg9 : memref<!tpu.dma_semaphore, #tpu.memory_space<semaphore_mem>>) {add = true}
      %dma_start3A_261 = arith.constant 24 : i32
      %dma_start3A_262 = arith.constant 1920 : i32
      %dma_start3A_263 = arith.constant 0 : i32
      %dma_start3A_264 = tpu.memref_slice %arg7[%dma_start3A_262, %dma_start3A_263] : memref<2000x32xf32, #tpu.memory_space<vmem>> -> memref<80x32xf32, #tpu.memory_space<vmem>>
      %dma_start3A_265 = arith.constant 0 : i32
      %dma_start3A_266 = tpu.memref_slice %arg6[%dma_start3A_261, %dma_start3A_265] : memref<25x80xi32, #tpu.memory_space<vmem>> -> memref<1x80xi32, #tpu.memory_space<vmem>>
      %dma_start3A_267 = tpu.memref_squeeze %dma_start3A_266 : memref<1x80xi32, #tpu.memory_space<vmem>> -> memref<80xi32, #tpu.memory_space<vmem>>
      %dma_start3A_268 = arith.constant 0 : i32
      %dma_start3A_269 = arith.constant 0 : i32
      %dma_start3A_270 = tpu.memref_slice %arg8[%dma_start3A_268, %dma_start3A_269] : memref<10000x32xf32, #tpu.memory_space<vmem_shared>> -> memref<10000x32xf32, #tpu.memory_space<vmem_shared>>
      tpu.enqueue_indirect_dma source(%dma_start3A_264 : memref<80x32xf32, #tpu.memory_space<vmem>>) target(%dma_start3A_270 : memref<10000x32xf32, #tpu.memory_space<vmem_shared>>) offsets(%dma_start3A_267 : memref<80xi32, #tpu.memory_space<vmem>>) semaphore(%arg9 : memref<!tpu.dma_semaphore, #tpu.memory_space<semaphore_mem>>) {add = true}
      %dma_wait3A = arith.constant 0 : i32
      %dma_wait3A_271 = arith.constant 0 : i32
      %dma_wait3A_272 = arith.constant 0 : i32
      %dma_wait3A_273 = tpu.memref_slice %arg7[%dma_wait3A_271, %dma_wait3A_272] : memref<2000x32xf32, #tpu.memory_space<vmem>> -> memref<80x32xf32, #tpu.memory_space<vmem>>
      %dma_wait3A_274 = arith.constant 0 : i32
      %dma_wait3A_275 = tpu.memref_slice %arg6[%dma_wait3A, %dma_wait3A_274] : memref<25x80xi32, #tpu.memory_space<vmem>> -> memref<1x80xi32, #tpu.memory_space<vmem>>
      %dma_wait3A_276 = tpu.memref_squeeze %dma_wait3A_275 : memref<1x80xi32, #tpu.memory_space<vmem>> -> memref<80xi32, #tpu.memory_space<vmem>>
      %dma_wait3A_277 = arith.constant 0 : i32
      %dma_wait3A_278 = arith.constant 0 : i32
      %dma_wait3A_279 = tpu.memref_slice %arg8[%dma_wait3A_277, %dma_wait3A_278] : memref<10000x32xf32, #tpu.memory_space<vmem_shared>> -> memref<10000x32xf32, #tpu.memory_space<vmem_shared>>
      tpu.wait_indirect_dma semaphore(%arg9 : memref<!tpu.dma_semaphore, #tpu.memory_space<semaphore_mem>>) src(%dma_wait3A_273 : memref<80x32xf32, #tpu.memory_space<vmem>>) dst(%dma_wait3A_279 : memref<10000x32xf32, #tpu.memory_space<vmem_shared>>)
      %dma_wait3A_280 = arith.constant 1 : i32
      %dma_wait3A_281 = arith.constant 80 : i32
      %dma_wait3A_282 = arith.constant 0 : i32
      %dma_wait3A_283 = tpu.memref_slice %arg7[%dma_wait3A_281, %dma_wait3A_282] : memref<2000x32xf32, #tpu.memory_space<vmem>> -> memref<80x32xf32, #tpu.memory_space<vmem>>
      %dma_wait3A_284 = arith.constant 0 : i32
      %dma_wait3A_285 = tpu.memref_slice %arg6[%dma_wait3A_280, %dma_wait3A_284] : memref<25x80xi32, #tpu.memory_space<vmem>> -> memref<1x80xi32, #tpu.memory_space<vmem>>
      %dma_wait3A_286 = tpu.memref_squeeze %dma_wait3A_285 : memref<1x80xi32, #tpu.memory_space<vmem>> -> memref<80xi32, #tpu.memory_space<vmem>>
      %dma_wait3A_287 = arith.constant 0 : i32
      %dma_wait3A_288 = arith.constant 0 : i32
      %dma_wait3A_289 = tpu.memref_slice %arg8[%dma_wait3A_287, %dma_wait3A_288] : memref<10000x32xf32, #tpu.memory_space<vmem_shared>> -> memref<10000x32xf32, #tpu.memory_space<vmem_shared>>
      tpu.wait_indirect_dma semaphore(%arg9 : memref<!tpu.dma_semaphore, #tpu.memory_space<semaphore_mem>>) src(%dma_wait3A_283 : memref<80x32xf32, #tpu.memory_space<vmem>>) dst(%dma_wait3A_289 : memref<10000x32xf32, #tpu.memory_space<vmem_shared>>)
      %dma_wait3A_290 = arith.constant 2 : i32
      %dma_wait3A_291 = arith.constant 160 : i32
      %dma_wait3A_292 = arith.constant 0 : i32
      %dma_wait3A_293 = tpu.memref_slice %arg7[%dma_wait3A_291, %dma_wait3A_292] : memref<2000x32xf32, #tpu.memory_space<vmem>> -> memref<80x32xf32, #tpu.memory_space<vmem>>
      %dma_wait3A_294 = arith.constant 0 : i32
      %dma_wait3A_295 = tpu.memref_slice %arg6[%dma_wait3A_290, %dma_wait3A_294] : memref<25x80xi32, #tpu.memory_space<vmem>> -> memref<1x80xi32, #tpu.memory_space<vmem>>
      %dma_wait3A_296 = tpu.memref_squeeze %dma_wait3A_295 : memref<1x80xi32, #tpu.memory_space<vmem>> -> memref<80xi32, #tpu.memory_space<vmem>>
      %dma_wait3A_297 = arith.constant 0 : i32
      %dma_wait3A_298 = arith.constant 0 : i32
      %dma_wait3A_299 = tpu.memref_slice %arg8[%dma_wait3A_297, %dma_wait3A_298] : memref<10000x32xf32, #tpu.memory_space<vmem_shared>> -> memref<10000x32xf32, #tpu.memory_space<vmem_shared>>
      tpu.wait_indirect_dma semaphore(%arg9 : memref<!tpu.dma_semaphore, #tpu.memory_space<semaphore_mem>>) src(%dma_wait3A_293 : memref<80x32xf32, #tpu.memory_space<vmem>>) dst(%dma_wait3A_299 : memref<10000x32xf32, #tpu.memory_space<vmem_shared>>)
      %dma_wait3A_300 = arith.constant 3 : i32
      %dma_wait3A_301 = arith.constant 240 : i32
      %dma_wait3A_302 = arith.constant 0 : i32
      %dma_wait3A_303 = tpu.memref_slice %arg7[%dma_wait3A_301, %dma_wait3A_302] : memref<2000x32xf32, #tpu.memory_space<vmem>> -> memref<80x32xf32, #tpu.memory_space<vmem>>
      %dma_wait3A_304 = arith.constant 0 : i32
      %dma_wait3A_305 = tpu.memref_slice %arg6[%dma_wait3A_300, %dma_wait3A_304] : memref<25x80xi32, #tpu.memory_space<vmem>> -> memref<1x80xi32, #tpu.memory_space<vmem>>
      %dma_wait3A_306 = tpu.memref_squeeze %dma_wait3A_305 : memref<1x80xi32, #tpu.memory_space<vmem>> -> memref<80xi32, #tpu.memory_space<vmem>>
      %dma_wait3A_307 = arith.constant 0 : i32
      %dma_wait3A_308 = arith.constant 0 : i32
      %dma_wait3A_309 = tpu.memref_slice %arg8[%dma_wait3A_307, %dma_wait3A_308] : memref<10000x32xf32, #tpu.memory_space<vmem_shared>> -> memref<10000x32xf32, #tpu.memory_space<vmem_shared>>
      tpu.wait_indirect_dma semaphore(%arg9 : memref<!tpu.dma_semaphore, #tpu.memory_space<semaphore_mem>>) src(%dma_wait3A_303 : memref<80x32xf32, #tpu.memory_space<vmem>>) dst(%dma_wait3A_309 : memref<10000x32xf32, #tpu.memory_space<vmem_shared>>)
      %dma_wait3A_310 = arith.constant 4 : i32
      %dma_wait3A_311 = arith.constant 320 : i32
      %dma_wait3A_312 = arith.constant 0 : i32
      %dma_wait3A_313 = tpu.memref_slice %arg7[%dma_wait3A_311, %dma_wait3A_312] : memref<2000x32xf32, #tpu.memory_space<vmem>> -> memref<80x32xf32, #tpu.memory_space<vmem>>
      %dma_wait3A_314 = arith.constant 0 : i32
      %dma_wait3A_315 = tpu.memref_slice %arg6[%dma_wait3A_310, %dma_wait3A_314] : memref<25x80xi32, #tpu.memory_space<vmem>> -> memref<1x80xi32, #tpu.memory_space<vmem>>
      %dma_wait3A_316 = tpu.memref_squeeze %dma_wait3A_315 : memref<1x80xi32, #tpu.memory_space<vmem>> -> memref<80xi32, #tpu.memory_space<vmem>>
      %dma_wait3A_317 = arith.constant 0 : i32
      %dma_wait3A_318 = arith.constant 0 : i32
      %dma_wait3A_319 = tpu.memref_slice %arg8[%dma_wait3A_317, %dma_wait3A_318] : memref<10000x32xf32, #tpu.memory_space<vmem_shared>> -> memref<10000x32xf32, #tpu.memory_space<vmem_shared>>
      tpu.wait_indirect_dma semaphore(%arg9 : memref<!tpu.dma_semaphore, #tpu.memory_space<semaphore_mem>>) src(%dma_wait3A_313 : memref<80x32xf32, #tpu.memory_space<vmem>>) dst(%dma_wait3A_319 : memref<10000x32xf32, #tpu.memory_space<vmem_shared>>)
      %dma_wait3A_320 = arith.constant 5 : i32
      %dma_wait3A_321 = arith.constant 400 : i32
      %dma_wait3A_322 = arith.constant 0 : i32
      %dma_wait3A_323 = tpu.memref_slice %arg7[%dma_wait3A_321, %dma_wait3A_322] : memref<2000x32xf32, #tpu.memory_space<vmem>> -> memref<80x32xf32, #tpu.memory_space<vmem>>
      %dma_wait3A_324 = arith.constant 0 : i32
      %dma_wait3A_325 = tpu.memref_slice %arg6[%dma_wait3A_320, %dma_wait3A_324] : memref<25x80xi32, #tpu.memory_space<vmem>> -> memref<1x80xi32, #tpu.memory_space<vmem>>
      %dma_wait3A_326 = tpu.memref_squeeze %dma_wait3A_325 : memref<1x80xi32, #tpu.memory_space<vmem>> -> memref<80xi32, #tpu.memory_space<vmem>>
      %dma_wait3A_327 = arith.constant 0 : i32
      %dma_wait3A_328 = arith.constant 0 : i32
      %dma_wait3A_329 = tpu.memref_slice %arg8[%dma_wait3A_327, %dma_wait3A_328] : memref<10000x32xf32, #tpu.memory_space<vmem_shared>> -> memref<10000x32xf32, #tpu.memory_space<vmem_shared>>
      tpu.wait_indirect_dma semaphore(%arg9 : memref<!tpu.dma_semaphore, #tpu.memory_space<semaphore_mem>>) src(%dma_wait3A_323 : memref<80x32xf32, #tpu.memory_space<vmem>>) dst(%dma_wait3A_329 : memref<10000x32xf32, #tpu.memory_space<vmem_shared>>)
      %dma_wait3A_330 = arith.constant 6 : i32
      %dma_wait3A_331 = arith.constant 480 : i32
      %dma_wait3A_332 = arith.constant 0 : i32
      %dma_wait3A_333 = tpu.memref_slice %arg7[%dma_wait3A_331, %dma_wait3A_332] : memref<2000x32xf32, #tpu.memory_space<vmem>> -> memref<80x32xf32, #tpu.memory_space<vmem>>
      %dma_wait3A_334 = arith.constant 0 : i32
      %dma_wait3A_335 = tpu.memref_slice %arg6[%dma_wait3A_330, %dma_wait3A_334] : memref<25x80xi32, #tpu.memory_space<vmem>> -> memref<1x80xi32, #tpu.memory_space<vmem>>
      %dma_wait3A_336 = tpu.memref_squeeze %dma_wait3A_335 : memref<1x80xi32, #tpu.memory_space<vmem>> -> memref<80xi32, #tpu.memory_space<vmem>>
      %dma_wait3A_337 = arith.constant 0 : i32
      %dma_wait3A_338 = arith.constant 0 : i32
      %dma_wait3A_339 = tpu.memref_slice %arg8[%dma_wait3A_337, %dma_wait3A_338] : memref<10000x32xf32, #tpu.memory_space<vmem_shared>> -> memref<10000x32xf32, #tpu.memory_space<vmem_shared>>
      tpu.wait_indirect_dma semaphore(%arg9 : memref<!tpu.dma_semaphore, #tpu.memory_space<semaphore_mem>>) src(%dma_wait3A_333 : memref<80x32xf32, #tpu.memory_space<vmem>>) dst(%dma_wait3A_339 : memref<10000x32xf32, #tpu.memory_space<vmem_shared>>)
      %dma_wait3A_340 = arith.constant 7 : i32
      %dma_wait3A_341 = arith.constant 560 : i32
      %dma_wait3A_342 = arith.constant 0 : i32
      %dma_wait3A_343 = tpu.memref_slice %arg7[%dma_wait3A_341, %dma_wait3A_342] : memref<2000x32xf32, #tpu.memory_space<vmem>> -> memref<80x32xf32, #tpu.memory_space<vmem>>
      %dma_wait3A_344 = arith.constant 0 : i32
      %dma_wait3A_345 = tpu.memref_slice %arg6[%dma_wait3A_340, %dma_wait3A_344] : memref<25x80xi32, #tpu.memory_space<vmem>> -> memref<1x80xi32, #tpu.memory_space<vmem>>
      %dma_wait3A_346 = tpu.memref_squeeze %dma_wait3A_345 : memref<1x80xi32, #tpu.memory_space<vmem>> -> memref<80xi32, #tpu.memory_space<vmem>>
      %dma_wait3A_347 = arith.constant 0 : i32
      %dma_wait3A_348 = arith.constant 0 : i32
      %dma_wait3A_349 = tpu.memref_slice %arg8[%dma_wait3A_347, %dma_wait3A_348] : memref<10000x32xf32, #tpu.memory_space<vmem_shared>> -> memref<10000x32xf32, #tpu.memory_space<vmem_shared>>
      tpu.wait_indirect_dma semaphore(%arg9 : memref<!tpu.dma_semaphore, #tpu.memory_space<semaphore_mem>>) src(%dma_wait3A_343 : memref<80x32xf32, #tpu.memory_space<vmem>>) dst(%dma_wait3A_349 : memref<10000x32xf32, #tpu.memory_space<vmem_shared>>)
      %dma_wait3A_350 = arith.constant 8 : i32
      %dma_wait3A_351 = arith.constant 640 : i32
      %dma_wait3A_352 = arith.constant 0 : i32
      %dma_wait3A_353 = tpu.memref_slice %arg7[%dma_wait3A_351, %dma_wait3A_352] : memref<2000x32xf32, #tpu.memory_space<vmem>> -> memref<80x32xf32, #tpu.memory_space<vmem>>
      %dma_wait3A_354 = arith.constant 0 : i32
      %dma_wait3A_355 = tpu.memref_slice %arg6[%dma_wait3A_350, %dma_wait3A_354] : memref<25x80xi32, #tpu.memory_space<vmem>> -> memref<1x80xi32, #tpu.memory_space<vmem>>
      %dma_wait3A_356 = tpu.memref_squeeze %dma_wait3A_355 : memref<1x80xi32, #tpu.memory_space<vmem>> -> memref<80xi32, #tpu.memory_space<vmem>>
      %dma_wait3A_357 = arith.constant 0 : i32
      %dma_wait3A_358 = arith.constant 0 : i32
      %dma_wait3A_359 = tpu.memref_slice %arg8[%dma_wait3A_357, %dma_wait3A_358] : memref<10000x32xf32, #tpu.memory_space<vmem_shared>> -> memref<10000x32xf32, #tpu.memory_space<vmem_shared>>
      tpu.wait_indirect_dma semaphore(%arg9 : memref<!tpu.dma_semaphore, #tpu.memory_space<semaphore_mem>>) src(%dma_wait3A_353 : memref<80x32xf32, #tpu.memory_space<vmem>>) dst(%dma_wait3A_359 : memref<10000x32xf32, #tpu.memory_space<vmem_shared>>)
      %dma_wait3A_360 = arith.constant 9 : i32
      %dma_wait3A_361 = arith.constant 720 : i32
      %dma_wait3A_362 = arith.constant 0 : i32
      %dma_wait3A_363 = tpu.memref_slice %arg7[%dma_wait3A_361, %dma_wait3A_362] : memref<2000x32xf32, #tpu.memory_space<vmem>> -> memref<80x32xf32, #tpu.memory_space<vmem>>
      %dma_wait3A_364 = arith.constant 0 : i32
      %dma_wait3A_365 = tpu.memref_slice %arg6[%dma_wait3A_360, %dma_wait3A_364] : memref<25x80xi32, #tpu.memory_space<vmem>> -> memref<1x80xi32, #tpu.memory_space<vmem>>
      %dma_wait3A_366 = tpu.memref_squeeze %dma_wait3A_365 : memref<1x80xi32, #tpu.memory_space<vmem>> -> memref<80xi32, #tpu.memory_space<vmem>>
      %dma_wait3A_367 = arith.constant 0 : i32
      %dma_wait3A_368 = arith.constant 0 : i32
      %dma_wait3A_369 = tpu.memref_slice %arg8[%dma_wait3A_367, %dma_wait3A_368] : memref<10000x32xf32, #tpu.memory_space<vmem_shared>> -> memref<10000x32xf32, #tpu.memory_space<vmem_shared>>
      tpu.wait_indirect_dma semaphore(%arg9 : memref<!tpu.dma_semaphore, #tpu.memory_space<semaphore_mem>>) src(%dma_wait3A_363 : memref<80x32xf32, #tpu.memory_space<vmem>>) dst(%dma_wait3A_369 : memref<10000x32xf32, #tpu.memory_space<vmem_shared>>)
      %dma_wait3A_370 = arith.constant 10 : i32
      %dma_wait3A_371 = arith.constant 800 : i32
      %dma_wait3A_372 = arith.constant 0 : i32
      %dma_wait3A_373 = tpu.memref_slice %arg7[%dma_wait3A_371, %dma_wait3A_372] : memref<2000x32xf32, #tpu.memory_space<vmem>> -> memref<80x32xf32, #tpu.memory_space<vmem>>
      %dma_wait3A_374 = arith.constant 0 : i32
      %dma_wait3A_375 = tpu.memref_slice %arg6[%dma_wait3A_370, %dma_wait3A_374] : memref<25x80xi32, #tpu.memory_space<vmem>> -> memref<1x80xi32, #tpu.memory_space<vmem>>
      %dma_wait3A_376 = tpu.memref_squeeze %dma_wait3A_375 : memref<1x80xi32, #tpu.memory_space<vmem>> -> memref<80xi32, #tpu.memory_space<vmem>>
      %dma_wait3A_377 = arith.constant 0 : i32
      %dma_wait3A_378 = arith.constant 0 : i32
      %dma_wait3A_379 = tpu.memref_slice %arg8[%dma_wait3A_377, %dma_wait3A_378] : memref<10000x32xf32, #tpu.memory_space<vmem_shared>> -> memref<10000x32xf32, #tpu.memory_space<vmem_shared>>
      tpu.wait_indirect_dma semaphore(%arg9 : memref<!tpu.dma_semaphore, #tpu.memory_space<semaphore_mem>>) src(%dma_wait3A_373 : memref<80x32xf32, #tpu.memory_space<vmem>>) dst(%dma_wait3A_379 : memref<10000x32xf32, #tpu.memory_space<vmem_shared>>)
      %dma_wait3A_380 = arith.constant 11 : i32
      %dma_wait3A_381 = arith.constant 880 : i32
      %dma_wait3A_382 = arith.constant 0 : i32
      %dma_wait3A_383 = tpu.memref_slice %arg7[%dma_wait3A_381, %dma_wait3A_382] : memref<2000x32xf32, #tpu.memory_space<vmem>> -> memref<80x32xf32, #tpu.memory_space<vmem>>
      %dma_wait3A_384 = arith.constant 0 : i32
      %dma_wait3A_385 = tpu.memref_slice %arg6[%dma_wait3A_380, %dma_wait3A_384] : memref<25x80xi32, #tpu.memory_space<vmem>> -> memref<1x80xi32, #tpu.memory_space<vmem>>
      %dma_wait3A_386 = tpu.memref_squeeze %dma_wait3A_385 : memref<1x80xi32, #tpu.memory_space<vmem>> -> memref<80xi32, #tpu.memory_space<vmem>>
      %dma_wait3A_387 = arith.constant 0 : i32
      %dma_wait3A_388 = arith.constant 0 : i32
      %dma_wait3A_389 = tpu.memref_slice %arg8[%dma_wait3A_387, %dma_wait3A_388] : memref<10000x32xf32, #tpu.memory_space<vmem_shared>> -> memref<10000x32xf32, #tpu.memory_space<vmem_shared>>
      tpu.wait_indirect_dma semaphore(%arg9 : memref<!tpu.dma_semaphore, #tpu.memory_space<semaphore_mem>>) src(%dma_wait3A_383 : memref<80x32xf32, #tpu.memory_space<vmem>>) dst(%dma_wait3A_389 : memref<10000x32xf32, #tpu.memory_space<vmem_shared>>)
      %dma_wait3A_390 = arith.constant 12 : i32
      %dma_wait3A_391 = arith.constant 960 : i32
      %dma_wait3A_392 = arith.constant 0 : i32
      %dma_wait3A_393 = tpu.memref_slice %arg7[%dma_wait3A_391, %dma_wait3A_392] : memref<2000x32xf32, #tpu.memory_space<vmem>> -> memref<80x32xf32, #tpu.memory_space<vmem>>
      %dma_wait3A_394 = arith.constant 0 : i32
      %dma_wait3A_395 = tpu.memref_slice %arg6[%dma_wait3A_390, %dma_wait3A_394] : memref<25x80xi32, #tpu.memory_space<vmem>> -> memref<1x80xi32, #tpu.memory_space<vmem>>
      %dma_wait3A_396 = tpu.memref_squeeze %dma_wait3A_395 : memref<1x80xi32, #tpu.memory_space<vmem>> -> memref<80xi32, #tpu.memory_space<vmem>>
      %dma_wait3A_397 = arith.constant 0 : i32
      %dma_wait3A_398 = arith.constant 0 : i32
      %dma_wait3A_399 = tpu.memref_slice %arg8[%dma_wait3A_397, %dma_wait3A_398] : memref<10000x32xf32, #tpu.memory_space<vmem_shared>> -> memref<10000x32xf32, #tpu.memory_space<vmem_shared>>
      tpu.wait_indirect_dma semaphore(%arg9 : memref<!tpu.dma_semaphore, #tpu.memory_space<semaphore_mem>>) src(%dma_wait3A_393 : memref<80x32xf32, #tpu.memory_space<vmem>>) dst(%dma_wait3A_399 : memref<10000x32xf32, #tpu.memory_space<vmem_shared>>)
      %dma_wait3A_400 = arith.constant 13 : i32
      %dma_wait3A_401 = arith.constant 1040 : i32
      %dma_wait3A_402 = arith.constant 0 : i32
      %dma_wait3A_403 = tpu.memref_slice %arg7[%dma_wait3A_401, %dma_wait3A_402] : memref<2000x32xf32, #tpu.memory_space<vmem>> -> memref<80x32xf32, #tpu.memory_space<vmem>>
      %dma_wait3A_404 = arith.constant 0 : i32
      %dma_wait3A_405 = tpu.memref_slice %arg6[%dma_wait3A_400, %dma_wait3A_404] : memref<25x80xi32, #tpu.memory_space<vmem>> -> memref<1x80xi32, #tpu.memory_space<vmem>>
      %dma_wait3A_406 = tpu.memref_squeeze %dma_wait3A_405 : memref<1x80xi32, #tpu.memory_space<vmem>> -> memref<80xi32, #tpu.memory_space<vmem>>
      %dma_wait3A_407 = arith.constant 0 : i32
      %dma_wait3A_408 = arith.constant 0 : i32
      %dma_wait3A_409 = tpu.memref_slice %arg8[%dma_wait3A_407, %dma_wait3A_408] : memref<10000x32xf32, #tpu.memory_space<vmem_shared>> -> memref<10000x32xf32, #tpu.memory_space<vmem_shared>>
      tpu.wait_indirect_dma semaphore(%arg9 : memref<!tpu.dma_semaphore, #tpu.memory_space<semaphore_mem>>) src(%dma_wait3A_403 : memref<80x32xf32, #tpu.memory_space<vmem>>) dst(%dma_wait3A_409 : memref<10000x32xf32, #tpu.memory_space<vmem_shared>>)
      %dma_wait3A_410 = arith.constant 14 : i32
      %dma_wait3A_411 = arith.constant 1120 : i32
      %dma_wait3A_412 = arith.constant 0 : i32
      %dma_wait3A_413 = tpu.memref_slice %arg7[%dma_wait3A_411, %dma_wait3A_412] : memref<2000x32xf32, #tpu.memory_space<vmem>> -> memref<80x32xf32, #tpu.memory_space<vmem>>
      %dma_wait3A_414 = arith.constant 0 : i32
      %dma_wait3A_415 = tpu.memref_slice %arg6[%dma_wait3A_410, %dma_wait3A_414] : memref<25x80xi32, #tpu.memory_space<vmem>> -> memref<1x80xi32, #tpu.memory_space<vmem>>
      %dma_wait3A_416 = tpu.memref_squeeze %dma_wait3A_415 : memref<1x80xi32, #tpu.memory_space<vmem>> -> memref<80xi32, #tpu.memory_space<vmem>>
      %dma_wait3A_417 = arith.constant 0 : i32
      %dma_wait3A_418 = arith.constant 0 : i32
      %dma_wait3A_419 = tpu.memref_slice %arg8[%dma_wait3A_417, %dma_wait3A_418] : memref<10000x32xf32, #tpu.memory_space<vmem_shared>> -> memref<10000x32xf32, #tpu.memory_space<vmem_shared>>
      tpu.wait_indirect_dma semaphore(%arg9 : memref<!tpu.dma_semaphore, #tpu.memory_space<semaphore_mem>>) src(%dma_wait3A_413 : memref<80x32xf32, #tpu.memory_space<vmem>>) dst(%dma_wait3A_419 : memref<10000x32xf32, #tpu.memory_space<vmem_shared>>)
      %dma_wait3A_420 = arith.constant 15 : i32
      %dma_wait3A_421 = arith.constant 1200 : i32
      %dma_wait3A_422 = arith.constant 0 : i32
      %dma_wait3A_423 = tpu.memref_slice %arg7[%dma_wait3A_421, %dma_wait3A_422] : memref<2000x32xf32, #tpu.memory_space<vmem>> -> memref<80x32xf32, #tpu.memory_space<vmem>>
      %dma_wait3A_424 = arith.constant 0 : i32
      %dma_wait3A_425 = tpu.memref_slice %arg6[%dma_wait3A_420, %dma_wait3A_424] : memref<25x80xi32, #tpu.memory_space<vmem>> -> memref<1x80xi32, #tpu.memory_space<vmem>>
      %dma_wait3A_426 = tpu.memref_squeeze %dma_wait3A_425 : memref<1x80xi32, #tpu.memory_space<vmem>> -> memref<80xi32, #tpu.memory_space<vmem>>
      %dma_wait3A_427 = arith.constant 0 : i32
      %dma_wait3A_428 = arith.constant 0 : i32
      %dma_wait3A_429 = tpu.memref_slice %arg8[%dma_wait3A_427, %dma_wait3A_428] : memref<10000x32xf32, #tpu.memory_space<vmem_shared>> -> memref<10000x32xf32, #tpu.memory_space<vmem_shared>>
      tpu.wait_indirect_dma semaphore(%arg9 : memref<!tpu.dma_semaphore, #tpu.memory_space<semaphore_mem>>) src(%dma_wait3A_423 : memref<80x32xf32, #tpu.memory_space<vmem>>) dst(%dma_wait3A_429 : memref<10000x32xf32, #tpu.memory_space<vmem_shared>>)
      %dma_wait3A_430 = arith.constant 16 : i32
      %dma_wait3A_431 = arith.constant 1280 : i32
      %dma_wait3A_432 = arith.constant 0 : i32
      %dma_wait3A_433 = tpu.memref_slice %arg7[%dma_wait3A_431, %dma_wait3A_432] : memref<2000x32xf32, #tpu.memory_space<vmem>> -> memref<80x32xf32, #tpu.memory_space<vmem>>
      %dma_wait3A_434 = arith.constant 0 : i32
      %dma_wait3A_435 = tpu.memref_slice %arg6[%dma_wait3A_430, %dma_wait3A_434] : memref<25x80xi32, #tpu.memory_space<vmem>> -> memref<1x80xi32, #tpu.memory_space<vmem>>
      %dma_wait3A_436 = tpu.memref_squeeze %dma_wait3A_435 : memref<1x80xi32, #tpu.memory_space<vmem>> -> memref<80xi32, #tpu.memory_space<vmem>>
      %dma_wait3A_437 = arith.constant 0 : i32
      %dma_wait3A_438 = arith.constant 0 : i32
      %dma_wait3A_439 = tpu.memref_slice %arg8[%dma_wait3A_437, %dma_wait3A_438] : memref<10000x32xf32, #tpu.memory_space<vmem_shared>> -> memref<10000x32xf32, #tpu.memory_space<vmem_shared>>
      tpu.wait_indirect_dma semaphore(%arg9 : memref<!tpu.dma_semaphore, #tpu.memory_space<semaphore_mem>>) src(%dma_wait3A_433 : memref<80x32xf32, #tpu.memory_space<vmem>>) dst(%dma_wait3A_439 : memref<10000x32xf32, #tpu.memory_space<vmem_shared>>)
      %dma_wait3A_440 = arith.constant 17 : i32
      %dma_wait3A_441 = arith.constant 1360 : i32
      %dma_wait3A_442 = arith.constant 0 : i32
      %dma_wait3A_443 = tpu.memref_slice %arg7[%dma_wait3A_441, %dma_wait3A_442] : memref<2000x32xf32, #tpu.memory_space<vmem>> -> memref<80x32xf32, #tpu.memory_space<vmem>>
      %dma_wait3A_444 = arith.constant 0 : i32
      %dma_wait3A_445 = tpu.memref_slice %arg6[%dma_wait3A_440, %dma_wait3A_444] : memref<25x80xi32, #tpu.memory_space<vmem>> -> memref<1x80xi32, #tpu.memory_space<vmem>>
      %dma_wait3A_446 = tpu.memref_squeeze %dma_wait3A_445 : memref<1x80xi32, #tpu.memory_space<vmem>> -> memref<80xi32, #tpu.memory_space<vmem>>
      %dma_wait3A_447 = arith.constant 0 : i32
      %dma_wait3A_448 = arith.constant 0 : i32
      %dma_wait3A_449 = tpu.memref_slice %arg8[%dma_wait3A_447, %dma_wait3A_448] : memref<10000x32xf32, #tpu.memory_space<vmem_shared>> -> memref<10000x32xf32, #tpu.memory_space<vmem_shared>>
      tpu.wait_indirect_dma semaphore(%arg9 : memref<!tpu.dma_semaphore, #tpu.memory_space<semaphore_mem>>) src(%dma_wait3A_443 : memref<80x32xf32, #tpu.memory_space<vmem>>) dst(%dma_wait3A_449 : memref<10000x32xf32, #tpu.memory_space<vmem_shared>>)
      %dma_wait3A_450 = arith.constant 18 : i32
      %dma_wait3A_451 = arith.constant 1440 : i32
      %dma_wait3A_452 = arith.constant 0 : i32
      %dma_wait3A_453 = tpu.memref_slice %arg7[%dma_wait3A_451, %dma_wait3A_452] : memref<2000x32xf32, #tpu.memory_space<vmem>> -> memref<80x32xf32, #tpu.memory_space<vmem>>
      %dma_wait3A_454 = arith.constant 0 : i32
      %dma_wait3A_455 = tpu.memref_slice %arg6[%dma_wait3A_450, %dma_wait3A_454] : memref<25x80xi32, #tpu.memory_space<vmem>> -> memref<1x80xi32, #tpu.memory_space<vmem>>
      %dma_wait3A_456 = tpu.memref_squeeze %dma_wait3A_455 : memref<1x80xi32, #tpu.memory_space<vmem>> -> memref<80xi32, #tpu.memory_space<vmem>>
      %dma_wait3A_457 = arith.constant 0 : i32
      %dma_wait3A_458 = arith.constant 0 : i32
      %dma_wait3A_459 = tpu.memref_slice %arg8[%dma_wait3A_457, %dma_wait3A_458] : memref<10000x32xf32, #tpu.memory_space<vmem_shared>> -> memref<10000x32xf32, #tpu.memory_space<vmem_shared>>
      tpu.wait_indirect_dma semaphore(%arg9 : memref<!tpu.dma_semaphore, #tpu.memory_space<semaphore_mem>>) src(%dma_wait3A_453 : memref<80x32xf32, #tpu.memory_space<vmem>>) dst(%dma_wait3A_459 : memref<10000x32xf32, #tpu.memory_space<vmem_shared>>)
      %dma_wait3A_460 = arith.constant 19 : i32
      %dma_wait3A_461 = arith.constant 1520 : i32
      %dma_wait3A_462 = arith.constant 0 : i32
      %dma_wait3A_463 = tpu.memref_slice %arg7[%dma_wait3A_461, %dma_wait3A_462] : memref<2000x32xf32, #tpu.memory_space<vmem>> -> memref<80x32xf32, #tpu.memory_space<vmem>>
      %dma_wait3A_464 = arith.constant 0 : i32
      %dma_wait3A_465 = tpu.memref_slice %arg6[%dma_wait3A_460, %dma_wait3A_464] : memref<25x80xi32, #tpu.memory_space<vmem>> -> memref<1x80xi32, #tpu.memory_space<vmem>>
      %dma_wait3A_466 = tpu.memref_squeeze %dma_wait3A_465 : memref<1x80xi32, #tpu.memory_space<vmem>> -> memref<80xi32, #tpu.memory_space<vmem>>
      %dma_wait3A_467 = arith.constant 0 : i32
      %dma_wait3A_468 = arith.constant 0 : i32
      %dma_wait3A_469 = tpu.memref_slice %arg8[%dma_wait3A_467, %dma_wait3A_468] : memref<10000x32xf32, #tpu.memory_space<vmem_shared>> -> memref<10000x32xf32, #tpu.memory_space<vmem_shared>>
      tpu.wait_indirect_dma semaphore(%arg9 : memref<!tpu.dma_semaphore, #tpu.memory_space<semaphore_mem>>) src(%dma_wait3A_463 : memref<80x32xf32, #tpu.memory_space<vmem>>) dst(%dma_wait3A_469 : memref<10000x32xf32, #tpu.memory_space<vmem_shared>>)
      %dma_wait3A_470 = arith.constant 20 : i32
      %dma_wait3A_471 = arith.constant 1600 : i32
      %dma_wait3A_472 = arith.constant 0 : i32
      %dma_wait3A_473 = tpu.memref_slice %arg7[%dma_wait3A_471, %dma_wait3A_472] : memref<2000x32xf32, #tpu.memory_space<vmem>> -> memref<80x32xf32, #tpu.memory_space<vmem>>
      %dma_wait3A_474 = arith.constant 0 : i32
      %dma_wait3A_475 = tpu.memref_slice %arg6[%dma_wait3A_470, %dma_wait3A_474] : memref<25x80xi32, #tpu.memory_space<vmem>> -> memref<1x80xi32, #tpu.memory_space<vmem>>
      %dma_wait3A_476 = tpu.memref_squeeze %dma_wait3A_475 : memref<1x80xi32, #tpu.memory_space<vmem>> -> memref<80xi32, #tpu.memory_space<vmem>>
      %dma_wait3A_477 = arith.constant 0 : i32
      %dma_wait3A_478 = arith.constant 0 : i32
      %dma_wait3A_479 = tpu.memref_slice %arg8[%dma_wait3A_477, %dma_wait3A_478] : memref<10000x32xf32, #tpu.memory_space<vmem_shared>> -> memref<10000x32xf32, #tpu.memory_space<vmem_shared>>
      tpu.wait_indirect_dma semaphore(%arg9 : memref<!tpu.dma_semaphore, #tpu.memory_space<semaphore_mem>>) src(%dma_wait3A_473 : memref<80x32xf32, #tpu.memory_space<vmem>>) dst(%dma_wait3A_479 : memref<10000x32xf32, #tpu.memory_space<vmem_shared>>)
      %dma_wait3A_480 = arith.constant 21 : i32
      %dma_wait3A_481 = arith.constant 1680 : i32
      %dma_wait3A_482 = arith.constant 0 : i32
      %dma_wait3A_483 = tpu.memref_slice %arg7[%dma_wait3A_481, %dma_wait3A_482] : memref<2000x32xf32, #tpu.memory_space<vmem>> -> memref<80x32xf32, #tpu.memory_space<vmem>>
      %dma_wait3A_484 = arith.constant 0 : i32
      %dma_wait3A_485 = tpu.memref_slice %arg6[%dma_wait3A_480, %dma_wait3A_484] : memref<25x80xi32, #tpu.memory_space<vmem>> -> memref<1x80xi32, #tpu.memory_space<vmem>>
      %dma_wait3A_486 = tpu.memref_squeeze %dma_wait3A_485 : memref<1x80xi32, #tpu.memory_space<vmem>> -> memref<80xi32, #tpu.memory_space<vmem>>
      %dma_wait3A_487 = arith.constant 0 : i32
      %dma_wait3A_488 = arith.constant 0 : i32
      %dma_wait3A_489 = tpu.memref_slice %arg8[%dma_wait3A_487, %dma_wait3A_488] : memref<10000x32xf32, #tpu.memory_space<vmem_shared>> -> memref<10000x32xf32, #tpu.memory_space<vmem_shared>>
      tpu.wait_indirect_dma semaphore(%arg9 : memref<!tpu.dma_semaphore, #tpu.memory_space<semaphore_mem>>) src(%dma_wait3A_483 : memref<80x32xf32, #tpu.memory_space<vmem>>) dst(%dma_wait3A_489 : memref<10000x32xf32, #tpu.memory_space<vmem_shared>>)
      %dma_wait3A_490 = arith.constant 22 : i32
      %dma_wait3A_491 = arith.constant 1760 : i32
      %dma_wait3A_492 = arith.constant 0 : i32
      %dma_wait3A_493 = tpu.memref_slice %arg7[%dma_wait3A_491, %dma_wait3A_492] : memref<2000x32xf32, #tpu.memory_space<vmem>> -> memref<80x32xf32, #tpu.memory_space<vmem>>
      %dma_wait3A_494 = arith.constant 0 : i32
      %dma_wait3A_495 = tpu.memref_slice %arg6[%dma_wait3A_490, %dma_wait3A_494] : memref<25x80xi32, #tpu.memory_space<vmem>> -> memref<1x80xi32, #tpu.memory_space<vmem>>
      %dma_wait3A_496 = tpu.memref_squeeze %dma_wait3A_495 : memref<1x80xi32, #tpu.memory_space<vmem>> -> memref<80xi32, #tpu.memory_space<vmem>>
      %dma_wait3A_497 = arith.constant 0 : i32
      %dma_wait3A_498 = arith.constant 0 : i32
      %dma_wait3A_499 = tpu.memref_slice %arg8[%dma_wait3A_497, %dma_wait3A_498] : memref<10000x32xf32, #tpu.memory_space<vmem_shared>> -> memref<10000x32xf32, #tpu.memory_space<vmem_shared>>
      tpu.wait_indirect_dma semaphore(%arg9 : memref<!tpu.dma_semaphore, #tpu.memory_space<semaphore_mem>>) src(%dma_wait3A_493 : memref<80x32xf32, #tpu.memory_space<vmem>>) dst(%dma_wait3A_499 : memref<10000x32xf32, #tpu.memory_space<vmem_shared>>)
      %dma_wait3A_500 = arith.constant 23 : i32
      %dma_wait3A_501 = arith.constant 1840 : i32
      %dma_wait3A_502 = arith.constant 0 : i32
      %dma_wait3A_503 = tpu.memref_slice %arg7[%dma_wait3A_501, %dma_wait3A_502] : memref<2000x32xf32, #tpu.memory_space<vmem>> -> memref<80x32xf32, #tpu.memory_space<vmem>>
      %dma_wait3A_504 = arith.constant 0 : i32
      %dma_wait3A_505 = tpu.memref_slice %arg6[%dma_wait3A_500, %dma_wait3A_504] : memref<25x80xi32, #tpu.memory_space<vmem>> -> memref<1x80xi32, #tpu.memory_space<vmem>>
      %dma_wait3A_506 = tpu.memref_squeeze %dma_wait3A_505 : memref<1x80xi32, #tpu.memory_space<vmem>> -> memref<80xi32, #tpu.memory_space<vmem>>
      %dma_wait3A_507 = arith.constant 0 : i32
      %dma_wait3A_508 = arith.constant 0 : i32
      %dma_wait3A_509 = tpu.memref_slice %arg8[%dma_wait3A_507, %dma_wait3A_508] : memref<10000x32xf32, #tpu.memory_space<vmem_shared>> -> memref<10000x32xf32, #tpu.memory_space<vmem_shared>>
      tpu.wait_indirect_dma semaphore(%arg9 : memref<!tpu.dma_semaphore, #tpu.memory_space<semaphore_mem>>) src(%dma_wait3A_503 : memref<80x32xf32, #tpu.memory_space<vmem>>) dst(%dma_wait3A_509 : memref<10000x32xf32, #tpu.memory_space<vmem_shared>>)
      %dma_wait3A_510 = arith.constant 24 : i32
      %dma_wait3A_511 = arith.constant 1920 : i32
      %dma_wait3A_512 = arith.constant 0 : i32
      %dma_wait3A_513 = tpu.memref_slice %arg7[%dma_wait3A_511, %dma_wait3A_512] : memref<2000x32xf32, #tpu.memory_space<vmem>> -> memref<80x32xf32, #tpu.memory_space<vmem>>
      %dma_wait3A_514 = arith.constant 0 : i32
      %dma_wait3A_515 = tpu.memref_slice %arg6[%dma_wait3A_510, %dma_wait3A_514] : memref<25x80xi32, #tpu.memory_space<vmem>> -> memref<1x80xi32, #tpu.memory_space<vmem>>
      %dma_wait3A_516 = tpu.memref_squeeze %dma_wait3A_515 : memref<1x80xi32, #tpu.memory_space<vmem>> -> memref<80xi32, #tpu.memory_space<vmem>>
      %dma_wait3A_517 = arith.constant 0 : i32
      %dma_wait3A_518 = arith.constant 0 : i32
      %dma_wait3A_519 = tpu.memref_slice %arg8[%dma_wait3A_517, %dma_wait3A_518] : memref<10000x32xf32, #tpu.memory_space<vmem_shared>> -> memref<10000x32xf32, #tpu.memory_space<vmem_shared>>
      tpu.wait_indirect_dma semaphore(%arg9 : memref<!tpu.dma_semaphore, #tpu.memory_space<semaphore_mem>>) src(%dma_wait3A_513 : memref<80x32xf32, #tpu.memory_space<vmem>>) dst(%dma_wait3A_519 : memref<10000x32xf32, #tpu.memory_space<vmem_shared>>)
    }
    %scan3A_9 = arith.constant 5 : i32
    %barrier3A_10 = arith.constant 0 : index
    tpu.barrier barrier_id(%barrier3A_10)
    %eq3A_11 = arith.constant 0 : i32
    %eq3A_12 = arith.cmpi eq, %arg1, %eq3A_11 : i32
    %convert_element_type3A_13 = arith.extui %eq3A_12 : i1 to i32
    %cond3A_14 = arith.constant 0 : i32
    %cond3A_15 = arith.cmpi ne, %convert_element_type3A_13, %cond3A_14 : i32
    scf.if %cond3A_15 {
      %mul3A_16 = arith.constant 10000 : i32
      %mul3A_17 = arith.muli %arg0, %mul3A_16 : i32
      "tpu.region"() ({
        %run_scoped3A = tpu.sem_alloc : memref<!tpu.dma_semaphore, #tpu.memory_space<semaphore_mem>>
        %dma_start3A = arith.constant 0 : i32
        %dma_start3A_18 = tpu.memref_slice %arg5[%mul3A_17, %dma_start3A] : memref<20000x32xf32, #tpu.memory_space<hbm>> -> memref<10000x32xf32, #tpu.memory_space<hbm>>
        tpu.enqueue_dma source(%arg8 : memref<10000x32xf32, #tpu.memory_space<vmem_shared>>) target(%dma_start3A_18 : memref<10000x32xf32, #tpu.memory_space<hbm>>) target_semaphore(%run_scoped3A : memref<!tpu.dma_semaphore, #tpu.memory_space<semaphore_mem>>)
        %dma_wait3A = arith.constant 0 : i32
        %dma_wait3A_19 = tpu.memref_slice %arg5[%mul3A_17, %dma_wait3A] : memref<20000x32xf32, #tpu.memory_space<hbm>> -> memref<10000x32xf32, #tpu.memory_space<hbm>>
        tpu.wait_dma2 semaphore(%run_scoped3A : memref<!tpu.dma_semaphore, #tpu.memory_space<semaphore_mem>>) src(%arg8 : memref<10000x32xf32, #tpu.memory_space<vmem_shared>>) dst(%dma_wait3A_19 : memref<10000x32xf32, #tpu.memory_space<hbm>>)
        tpu.yield
      }) : () -> ()
    } else {
    }
    return
  }
}

module attributes {stable_mosaic.version = 14 : i64} {
  func.func @body(%arg0: i32, %arg1: memref<2000x16xf32, #tpu.memory_space<vmem>>, %arg2: memref<2000x32xf32, #tpu.memory_space<vmem>>, %arg3: memref<32x544xf32, #tpu.memory_space<vmem>>, %arg4: memref<16x512xf32, #tpu.memory_space<vmem>>, %arg5: memref<2000x32xf32, #tpu.memory_space<vmem>>) attributes {dimension_semantics = [#tpu.dimension_semantics<arbitrary>], iteration_bounds = array<i64: 160>, scalar_prefetch = 0 : i64, scratch_operands = 0 : i64, tpu.core_type = #tpu.core_type<tc>, window_params = [{transform_indices = @transform_0, window_bounds = array<i64: 2000, 16>}, {transform_indices = @transform_1, window_bounds = array<i64: 2000, 32>}, {pipeline_mode = #tpu.pipeline_mode<synchronous>, transform_indices = @transform_2, window_bounds = array<i64: 32, 544>}, {pipeline_mode = #tpu.pipeline_mode<synchronous>, transform_indices = @transform_3, window_bounds = array<i64: 16, 512>}, {transform_indices = @transform_4, window_bounds = array<i64: 2000, 32>}]} {
    %get3A = arith.constant 0 : index
    %get3A_0 = arith.constant 0 : index
    %get3A_1 = vector.load %arg2[%get3A, %get3A_0] : memref<2000x32xf32, #tpu.memory_space<vmem>>, vector<2000x32xf32>
    %get3A_2 = arith.constant 0 : index
    %get3A_3 = arith.constant 0 : index
    %get3A_4 = vector.load %arg3[%get3A_2, %get3A_3] : memref<32x544xf32, #tpu.memory_space<vmem>>, vector<32x544xf32>
    %dot_general3A = arith.constant dense<0.000000e+00> : vector<2000x544xf32>
    %dot_general3A_5 = tpu.matmul %get3A_1, %get3A_4, %dot_general3A {dimension_numbers = #tpu.dot_dimension_numbers<[1], [0], [0], [1], [0, 0, 1, 1], [], []>, transpose_lhs_hint = false} : vector<2000x32xf32>, vector<32x544xf32>, vector<2000x544xf32> -> vector<2000x544xf32>
    %get3A_6 = arith.constant 0 : index
    %get3A_7 = arith.constant 0 : index
    %get3A_8 = vector.load %arg1[%get3A_6, %get3A_7] : memref<2000x16xf32, #tpu.memory_space<vmem>>, vector<2000x16xf32>
    %get3A_9 = arith.constant 0 : index
    %get3A_10 = arith.constant 0 : index
    %get3A_11 = vector.load %arg4[%get3A_9, %get3A_10] : memref<16x512xf32, #tpu.memory_space<vmem>>, vector<16x512xf32>
    %dot_general3A_12 = arith.constant dense<0.000000e+00> : vector<2000x512xf32>
    %dot_general3A_13 = tpu.matmul %get3A_8, %get3A_11, %dot_general3A_12 {dimension_numbers = #tpu.dot_dimension_numbers<[1], [0], [0], [1], [0, 0, 1, 1], [], []>, transpose_lhs_hint = false} : vector<2000x16xf32>, vector<16x512xf32>, vector<2000x512xf32> -> vector<2000x512xf32>
    %slice3A = vector.extract_strided_slice %dot_general3A_5 {offsets = [0, 0], sizes = [2000, 512], strides = [1, 1]} : vector<2000x544xf32> to vector<2000x512xf32>
    %mul3A = arith.mulf %slice3A, %dot_general3A_13 : vector<2000x512xf32>
    %slice3A_14 = vector.extract_strided_slice %mul3A {offsets = [0, 0], sizes = [2000, 128], strides = [1, 1]} : vector<2000x512xf32> to vector<2000x128xf32>
    %slice3A_15 = vector.extract_strided_slice %mul3A {offsets = [0, 128], sizes = [2000, 128], strides = [1, 1]} : vector<2000x512xf32> to vector<2000x128xf32>
    %add3A = arith.addf %slice3A_14, %slice3A_15 : vector<2000x128xf32>
    %slice3A_16 = vector.extract_strided_slice %mul3A {offsets = [0, 256], sizes = [2000, 128], strides = [1, 1]} : vector<2000x512xf32> to vector<2000x128xf32>
    %add3A_17 = arith.addf %add3A, %slice3A_16 : vector<2000x128xf32>
    %slice3A_18 = vector.extract_strided_slice %mul3A {offsets = [0, 384], sizes = [2000, 128], strides = [1, 1]} : vector<2000x512xf32> to vector<2000x128xf32>
    %add3A_19 = arith.addf %add3A_17, %slice3A_18 : vector<2000x128xf32>
    %roll3A = arith.constant 64 : i32
    %roll3A_20 = tpu.dynamic_rotate %add3A_19 by %roll3A dim 1 : vector<2000x128xf32>, i32 -> vector<2000x128xf32>
    %add3A_21 = arith.addf %add3A_19, %roll3A_20 : vector<2000x128xf32>
    %roll3A_22 = arith.constant 32 : i32
    %roll3A_23 = tpu.dynamic_rotate %add3A_21 by %roll3A_22 dim 1 : vector<2000x128xf32>, i32 -> vector<2000x128xf32>
    %add3A_24 = arith.addf %add3A_21, %roll3A_23 : vector<2000x128xf32>
    %slice3A_25 = vector.extract_strided_slice %add3A_24 {offsets = [0, 0], sizes = [2000, 32], strides = [1, 1]} : vector<2000x128xf32> to vector<2000x32xf32>
    %slice3A_26 = vector.extract_strided_slice %dot_general3A_5 {offsets = [0, 512], sizes = [2000, 32], strides = [1, 1]} : vector<2000x544xf32> to vector<2000x32xf32>
    %add3A_27 = arith.addf %slice3A_25, %slice3A_26 : vector<2000x32xf32>
    %swap3A = arith.constant 0 : index
    %swap3A_28 = arith.constant 0 : index
    %swap3A_29 = vector.load %arg5[%swap3A, %swap3A_28] : memref<2000x32xf32, #tpu.memory_space<vmem>>, vector<2000x32xf32>
    tpu.vector_store %arg5[%swap3A, %swap3A_28], %add3A_27 {strides = array<i32>} : memref<2000x32xf32, #tpu.memory_space<vmem>>, vector<2000x32xf32>,
    return
  }
  func.func @transform_0(%arg0: i32) -> (i32, i32) {
    %c0_i32 = arith.constant 0 : i32
    %c0_i32_0 = arith.constant 0 : i32
    return %arg0, %c0_i32 : i32, i32
  }
  func.func @transform_1(%arg0: i32) -> (i32, i32) {
    %c0_i32 = arith.constant 0 : i32
    %c0_i32_0 = arith.constant 0 : i32
    return %arg0, %c0_i32 : i32, i32
  }
  func.func @transform_2(%arg0: i32) -> (i32, i32) {
    %c0_i32 = arith.constant 0 : i32
    %c0_i32_0 = arith.constant 0 : i32
    %c0_i32_1 = arith.constant 0 : i32
    return %c0_i32, %c0_i32_0 : i32, i32
  }
  func.func @transform_3(%arg0: i32) -> (i32, i32) {
    %c0_i32 = arith.constant 0 : i32
    %c0_i32_0 = arith.constant 0 : i32
    %c0_i32_1 = arith.constant 0 : i32
    return %c0_i32, %c0_i32_0 : i32, i32
  }
  func.func @transform_4(%arg0: i32) -> (i32, i32) {
    %c0_i32 = arith.constant 0 : i32
    %c0_i32_0 = arith.constant 0 : i32
    return %arg0, %c0_i32 : i32, i32
  }
}

module attributes {stable_mosaic.version = 14 : i64} {
  func.func @body(%arg0: memref<20000x32xf32, #tpu.memory_space<vmem>>, %arg1: memref<10000x32xf32, #tpu.memory_space<vmem>>) attributes {dimension_semantics = [], scalar_prefetch = 0 : i64, scratch_operands = 0 : i64, tpu.core_type = #tpu.core_type<tc>} {
    %get3A = arith.constant 0 : index
    %get3A_0 = arith.constant 0 : index
    %get3A_1 = vector.load %arg0[%get3A, %get3A_0] : memref<20000x32xf32, #tpu.memory_space<vmem>>, vector<10000x32xf32>
    %get3A_2 = arith.constant 10000 : index
    %get3A_3 = arith.constant 0 : index
    %get3A_4 = vector.load %arg0[%get3A_2, %get3A_3] : memref<20000x32xf32, #tpu.memory_space<vmem>>, vector<10000x32xf32>
    %add3A = arith.addf %get3A_1, %get3A_4 : vector<10000x32xf32>
    %swap3A = arith.constant 0 : index
    %swap3A_5 = arith.constant 0 : index
    %swap3A_6 = vector.load %arg1[%swap3A, %swap3A_5] : memref<10000x32xf32, #tpu.memory_space<vmem>>, vector<10000x32xf32>
    tpu.vector_store %arg1[%swap3A, %swap3A_5], %add3A {strides = array<i32>} : memref<10000x32xf32, #tpu.memory_space<vmem>>, vector<10000x32xf32>,
    return
  }
}

</mosaic_0001>

<sc_bundles>
// kernel: kernel.10.cloned.1.call-start
scs
__scs_entry_jumppad:
0x0: {  	(pc) =	sbr.rel $0x88, $3  }
0x1: {  	(tag) =	ssettag $0x0;
	lr =	simm.s32 $0x1  }
0x2: {  	[smem:$0x3F9C] =	sst lr;
	_ =	strace $0xD0000000  }
0x3: {  	_ = 	snop  }
0x4: {  	_ = 	snop  }
0x5: {  	_ = 	snop  }
0x6: {  	_ = 	snop  }
0x7: {  	_ = 	snop  }
__scs_overlays_trampoline_lowered:
0x8: {  	[smem:$0x3FAB] =	sst s0  }
0x9: {  	[smem:$0x3FAC] =	sst s1  }
0xa: {  	[smem:$0x3FAD] =	sst s2  }
0xb: {  	[smem:$0x3FAE] =	sst s3  }
0xc: {  	[smem:$0x3FAF] =	sst s4  }
0xd: {  	[smem:$0x3FB0] =	sst s5  }
0xe: {  	[smem:$0x3FB1] =	sst s6  }
0xf: {  	[smem:$0x3FB2] =	sst s7  }
0x10: {  	[smem:$0x3FB3] =	sst s8  }
0x11: {  	[smem:$0x3FB4] =	sst s9;
	s0 =	simm.s32 @!p0 $0x0  }
0x12: {  	s1 =	sld [smem:$0x3F9A];
	s0 =	simm.s32 @p0 $0x1  }
0x13: {  	[smem:$0x3FB5] =	sst s0;
	s0 =	simm.s32 @!p1 $0x0  }
0x14: {  	s2 =	sld [smem:$0x3F99];
	s0 =	simm.s32 @p1 $0x1  }
0x15: {  	[smem:$0x3FB6] =	sst s0;
	s0 =	simm.s32 @!p2 $0x0  }
0x16: {  	s3 =	sld [smem:$0x3FDB];
	s0 =	simm.s32 @p2 $0x1  }
0x17: {  	s4 =	simm.s32 $0x1BF5;
	[smem:$0x3FB8] =	sst s0  }
0x18: {  	s0 =	sld [smem:$0x3F9B];
	_ =	swait.ge [sflag:s4], $0x0  }
0x19: {  	s7 =	sld [smem:$0x3F9C]  }
0x1a: {  	s8 =	sadd.s32 $0xFFFFE003, lr  }
0x1b: {  	s9 =	sadd.s32 $0xFFFFFEF7, lr;
	s5 =	simm.s32 $0xFFFFFFFF;
	p2 =	slt.u32 s8, $0xFFFFF086  }
0x1c: {  	p1 =	slt.u32 s9, $0xF7A;
	s5 =	simm.s32 @!p2 $0x0  }
0x1d: {  	s5 =	simm.s32 @p1 $0x1;
	p0 =	seq.s32 s7, s2  }
0x1e: {  	s7 =	smul.u32 @!p0 $0xF7A, s2;
	p2 =	seq.s32 @!p0 s5, $0x0  }
0x1f: {  	s9 =	smul.u32 $0xF7A, s1;
	s8 =	simm.s32 @!p0 $0x1BF5;
	p2 =	por !p2, p0  }
0x20: {  	[sflag:s8] =	ssyncset.s32 @!p0 $0xFFFFF086;
	s6 =	sadd.s32 @!p0 s3, s7;
	s7 =	simm.s32 @!p0 $0x108  }
0x21: {  	s3 =	sadd.s32 s3, s9;
	s6 =	sadd.s32 @!p0 $0x88, s6;
	s7 =	simm.s32 @p2 $0x1082  }
0x22: {  	[simem:s7], [sflag:s8] =	dma.local @!p0 [hbm:s6], $0xF7A  }
0x23: {  	s9 =	sor.u32 $0xD0000000, s2;
	s6 =	simm.s32 $0x108;
	_ =	swait.ge @!p0 [sflag:s8], $0x0  }
0x24: {  	s3 =	sadd.s32 $0x88, s3;
	s6 =	simm.s32 @!p1 $0x1082;
	[sflag:s4] =	ssyncset.s32 $0xFFFFF086  }
0x25: {  	[simem:s6], [sflag:s4] =	dma.local [hbm:s3], $0xF7A  }
0x26: {  	[smem:$0x3F9C] =	sst s1;
	(tag) =	ssettag s2;
	_ =	strace s9  }
0x27: {  	s1 =	sld [smem:$0x3FAC]  }
0x28: {  	s2 =	sld [smem:$0x3FAD]  }
0x29: {  	s4 =	sld [smem:$0x3FAF]  }
0x2a: {  	p0 =	seq.s32 s5, $0x0;
	s5 =	sld [smem:$0x3FB0]  }
0x2b: {  	s6 =	sld [smem:$0x3FB1]  }
0x2c: {  	s7 =	sld [smem:$0x3FB2]  }
0x2d: {  	s3 =	simm.s32 $0x108;
	s8 =	sld [smem:$0x3FB3]  }
0x2e: {  	s3 =	simm.s32 @!p0 $0x1082;
	s9 =	sld [smem:$0x3FB4]  }
0x2f: {  	lr =	sadd.s32 s0, s3;
	s0 =	sld [smem:$0x3FAB]  }
0x30: {  	s3 =	sld [smem:$0x3FAE]  }
0x31: {  	[smem:$0x3FB7] =	sst s10  }
0x32: {  	s10 =	sld [smem:$0x3FB5];
	_ =	sdelay $0x3  }
0x33: {  	p0 =	seq.s32 s10, $0x1;
	s10 =	sld [smem:$0x3FB7];
	_ =	sdelay $0x3  }
0x34: {  	[smem:$0x3FB7] =	sst s10  }
0x35: {  	s10 =	sld [smem:$0x3FB6];
	_ =	sdelay $0x3  }
0x36: {  	p1 =	seq.s32 s10, $0x1;
	s10 =	sld [smem:$0x3FB7];
	_ =	sdelay $0x3  }
0x37: {  	[smem:$0x3FB7] =	sst s10  }
0x38: {  	s10 =	sld [smem:$0x3FB8]  }
0x39: {  	_ = 	snop;
	(pc) =	sbr.ind lr, $3  }
0x3a: {  	_ = 	snop  }
0x3b: {  	_ = 	snop  }
0x3c: {  	p2 =	seq.s32 s10, $0x1;
	s10 =	sld [smem:$0x3FB7]  }
0x3d: {  	_ =	shalt  }
0x3e: {  	_ =	shalt  }
0x3f: {  	_ =	shalt  }
0x40: {  	_ =	shalt  }
0x41: {  	_ =	shalt  }
0x42: {  	_ =	shalt  }
0x43: {  	_ =	shalt  }
0x44: {  	_ =	shalt  }
0x45: {  	_ =	shalt  }
0x46: {  	_ =	shalt  }
0x47: {  	_ =	shalt  }
0x48: {  	_ =	shalt  }
0x49: {  	_ =	shalt  }
0x4a: {  	_ =	shalt  }
0x4b: {  	_ =	shalt  }
0x4c: {  	_ =	shalt  }
0x4d: {  	_ =	shalt  }
0x4e: {  	_ =	shalt  }
0x4f: {  	_ =	shalt  }
0x50: {  	_ =	shalt  }
0x51: {  	_ =	shalt  }
0x52: {  	_ =	shalt  }
0x53: {  	_ =	shalt  }
0x54: {  	_ =	shalt  }
0x55: {  	_ =	shalt  }
0x56: {  	_ =	shalt  }
0x57: {  	_ =	shalt  }
0x58: {  	_ =	shalt  }
0x59: {  	_ =	shalt  }
0x5a: {  	_ =	shalt  }
0x5b: {  	_ =	shalt  }
0x5c: {  	_ =	shalt  }
0x5d: {  	_ =	shalt  }
0x5e: {  	_ =	shalt  }
0x5f: {  	_ =	shalt  }
0x60: {  	_ =	shalt  }
0x61: {  	_ =	shalt  }
0x62: {  	_ =	shalt  }
0x63: {  	_ =	shalt  }
0x64: {  	_ =	shalt  }
0x65: {  	_ =	shalt  }
0x66: {  	_ =	shalt  }
0x67: {  	_ =	shalt  }
0x68: {  	_ =	shalt  }
0x69: {  	_ =	shalt  }
0x6a: {  	_ =	shalt  }
0x6b: {  	_ =	shalt  }
0x6c: {  	_ =	shalt  }
0x6d: {  	_ =	shalt  }
0x6e: {  	_ =	shalt  }
0x6f: {  	_ =	shalt  }
0x70: {  	_ =	shalt  }
0x71: {  	_ =	shalt  }
0x72: {  	_ =	shalt  }
0x73: {  	_ =	shalt  }
0x74: {  	_ =	shalt  }
0x75: {  	_ =	shalt  }
0x76: {  	_ =	shalt  }
0x77: {  	_ =	shalt  }
0x78: {  	_ =	shalt  }
0x79: {  	_ =	shalt  }
0x7a: {  	_ =	shalt  }
0x7b: {  	_ =	shalt  }
0x7c: {  	_ =	shalt  }
0x7d: {  	_ =	shalt  }
0x7e: {  	_ =	shalt  }
0x7f: {  	_ =	shalt  }
0x80: {  	_ =	shalt  }
0x81: {  	_ =	shalt  }
0x82: {  	_ =	shalt  }
0x83: {  	_ =	shalt  }
0x84: {  	_ =	shalt  }
0x85: {  	_ =	shalt  }
0x86: {  	_ =	shalt  }
0x87: {  	_ =	shalt  }
.Lfunc_end0:
.L_simem_size_0:
called_computation.1_lowered:
.L_overlay_start_0:
0x88: {  	s2 =	sld [smem:$0x3FD9]  }
0x89: {  	s3 =	sld [smem:$0x3FFE];
	_ =	sdelay $0x1  }
0x8a: {  	s1 =	srdreg.scid  }
0x8b: {  	s0 =	sand.u32 $0x1, s1  }
0x8c: {  	s17 =	sshll.u32 s0, $0xA;
	s2 =	sadd.s32 s3, s2  }
0x8d: {  	s2 =	sadd.s32 s2, s17  }
0x8e: {  	[smem:$0x3FC3] =	sst s2  }
0x8f: {  	_ = 	snop  }
0x90: {  	s2 =	sld [smem:$0x3FD0];
	(tm) =	ssettm $0x1  }
0x91: {  	s18 =	sld [smem:$0x3FFB];
	_ =	sdelay $0x3  }
0x92: {  	_ =	strace s18  }
0x93: {  	s3 =	sld [smem:$0x3FFC];
	_ =	sdelay $0x3  }
0x94: {  	_ =	strace s3  }
0x95: {  	s3 =	sld [smem:$0x3FFD];
	_ =	sdelay $0x3  }
0x96: {  	_ =	strace s3  }
0x97: {  	_ =	strace $0x8FFFFFFF  }
0x98: {  	s19 =	sld [smem:$0x3FDB];
	_ =	sdelay $0x1  }
0x99: {  	s4 =	simm.s32 $_scs_section_size  }
0x9a: {  	s5 =	simm.s32 $_size__tile_overlayer_lowered;
	s6 =	simm.s32 $_tile_overlayer_lowered  }
0x9b: {  	s22 =	simm.s32 $0x1BFF;
	s21 =	sshll.u32 s6, $0x1;
	s3 =	sadd.s32 s4, s19  }
0x9c: {  	s7 =	simm.s32 $0x0;
	s20 =	sshll.u32 s5, $0x1;
	s5 =	sadd.s32 s21, s3  }
0x9d: {  	[timem:s7], [sflag:s22] =	dma.local [hbm:s5], s20  }
0x9e: {  	_ =	swait.ge [sflag:s22], s20  }
0x9f: {  	s4 =	ssub.s32 $0x0, s20;
	[sflag:s22] =	ssyncset.done $0x0  }
0xa0: {  	[sflag:s22] =	ssyncadd.s32 s4;
	_ =	sdelay $0x1  }
0xa1: {  	s23 =	simm.s32 $0x1B8B  }
0xa2: {  	_ =	swait.ge [sflag:s23], $0x1  }
0xa3: {  	[sflag:s23] =	ssyncset.done $0x0  }
0xa4: {  	s25 =	simm.s32 $0x1B8E;
	s24 =	sld [smem:$0x3FFE];
	[sflag:s23] =	ssyncadd.s32 $0xFFFFFFFF  }
0xa5: {  	s26 =	simm.s32 $execute0_lowered;
	[smem:$0x3FD2] =	sst s25  }
0xa6: {  	s5 =	sshll.u32 s26, $0x1;
	_ =	strace $0x80000049;
	[dreg:$0x1] =	wrdreg $0xFFFFFFFF  }
0xa7: {  	s28 =	simm.s32 $_size_execute0_lowered;
	s3 =	sadd.s32 s3, s5;
	[dreg:$0x0] =	wrdreg $0x0  }
0xa8: {  	s5 =	sshll.u32 s28, $0x1;
	[dreg:$0x2] =	wrdreg s3  }
0xa9: {  	[dreg:$0x3] =	wrdreg s5  }
0xaa: {  	[dreg:$0x4] =	wrdreg $0xC0  }
0xab: {  	_ =	task [dreg:s7], $0x5FFFF  }
0xac: {  	[dreg:$0x1] =	wrdreg $0xFFFFFFFF  }
0xad: {  	[dreg:$0x0] =	wrdreg $0x60  }
0xae: {  	[dreg:$0x2] =	wrdreg s24  }
0xaf: {  	[dreg:$0x3] =	wrdreg s2  }
0xb0: {  	[dreg:$0x4] =	wrdreg $0x101D00  }
0xb1: {  	[dreg:$0x5] =	wrdreg $0x9  }
0xb2: {  	_ =	task.clear_ibuf [dreg:s7], $0x6FFFF;
	_ =	strace $0x90000049  }
0xb3: {  	s29 =	simm.s32 $0x9;
	_ =	strace $0x8000004B  }
0xb4: {  	_ =	swait.ge [sflag:s29], $0x1  }
0xb5: {  	[sflag:s29] =	ssyncadd.s32 $0xFFFFFFFF  }
0xb6: {  	_ =	strace $0x9000004B  }
0xb7: {  	_ =	sfence  }
0xb8: {  	s30 =	sld [smem:$0x0];
	_ =	sdelay $0x2  }
0xb9: {  	s31 =	sshll.u32 s1, $0xD;
	s1 =	sshrl.u32 s1, $0x2  }
0xba: {  	s3 =	sand.u32 $0x4000, s31;
	s1 =	sadd.s32 s1, s30  }
0xbb: {  	s0 =	sor.u32 s3, s0;
	s1 =	sshll.u32 s1, $0x11  }
0xbc: {  	s0 =	sor.u32 s1, s0  }
0xbd: {  	s0 =	sadd.s32 $0x8F2B, s0  }
0xbe: {  	[sflag:s0] =	ssyncadd.remote.s32 $0x1  }
0xbf: {  	_ =	sfence.sel $0xFFFF  }
0xc0: {  	[dreg:$0x0] =	wrdreg $0xFFFFFFFF;
	(pc) =	sbr.abs _section_cstart, $3  }
0xc1: {  	[dreg:$0x1] =	wrdreg $0xFFFFFFFF  }
0xc2: {  	_ =	task.clear_ibuf [dreg:s7], $0x2FFFF;
	_ =	strace $0x9FFFFFFF  }
0xc3: {  	(tm) =	ssettm $0x7FFFFFFF  }
tec
execute0_lowered:
.L_overlay_start_1:
0x0: {  	(tag) =	ssettag $0x1  }
0x1: {  	s1 =	srdreg.scid;
	s0 =	stileid.u32  }
0x2: {  	s1 =	sand.u32 $0x1, s1;
	s3 =	smul.u32 $0x4E20, s0  }
0x3: {  	s5 =	smul.u32 $0x2710, s1  }
0x4: {  	s4 =	rddreg [dreg:$0x0]  }
0x5: {  	s2 =	rddreg [dreg:$0x2];
	s5 =	sadd.s32 s5, s3;
	s3 =	simm.s32 $0x0  }
0x6: {  	s18 =	simm.s32 $0x11D0;
	[smem:$0x7FF] =	sst s3  }
0x7: {  	s19 =	simm.s32 $0xA0;
	_ =	strace $0x8000004A;
	[dreg:$0x5] =	wrdreg s18  }
0x8: {  	s20 =	simm.s32 $0x1BD0;
	[dreg:$0x6] =	wrdreg s19  }
0x9: {  	s21 =	simm.s32 $0xF0;
	[dreg:$0x7] =	wrdreg s20  }
0xa: {  	s22 =	simm.s32 $0x25D0;
	[dreg:$0x8] =	wrdreg s21  }
0xb: {  	s23 =	simm.s32 $0x140;
	[dreg:$0x9] =	wrdreg s22  }
0xc: {  	s24 =	simm.s32 $0x2FD0;
	[dreg:$0xa] =	wrdreg s23  }
0xd: {  	s25 =	simm.s32 $0x190;
	[dreg:$0xb] =	wrdreg s24  }
0xe: {  	s26 =	simm.s32 $0x39D0;
	[dreg:$0xc] =	wrdreg s25  }
0xf: {  	s6 =	simm.s32 $0x1E0;
	[dreg:$0xd] =	wrdreg s26  }
0x10: {  	s7 =	simm.s32 $0x43D0;
	[dreg:$0xe] =	wrdreg s6  }
0x11: {  	s8 =	simm.s32 $0x230;
	s9 =	simm.s32 $0x4DD0;
	[dreg:$0xf] =	wrdreg s7  }
0x12: {  	s10 =	simm.s32 $0x280;
	s11 =	simm.s32 $0x57D0;
	[dreg:$0x10] =	wrdreg s8  }
0x13: {  	s12 =	simm.s32 $0x2D0;
	s14 =	simm.s32 $0x61D0;
	[dreg:$0x11] =	wrdreg s9  }
0x14: {  	s15 =	simm.s32 $0x320;
	s17 =	simm.s32 $0x6BD0;
	[dreg:$0x12] =	wrdreg s10  }
0x15: {  	s28 =	simm.s32 $0x730;
	s29 =	simm.s32 $0xEDD0;
	[dreg:$0x13] =	wrdreg s11  }
0x16: {  	s30 =	simm.s32 $0x780;
	s31 =	simm.s32 $0xF7D0;
	[dreg:$0x14] =	wrdreg s12  }
0x17: {  	p0 =	sne.s32 s0, $0x0;
	s5 =	sshrl.u32 s5, $0x3;
	[dreg:$0x15] =	wrdreg s14  }
0x18: {  	s5 =	sadd.s32 s5, s4;
	s6 =	smul.u32 $0x9C40, s1;
	[dreg:$0x16] =	wrdreg s15  }
0x19: {  	s1 =	ssub.s32 $0x2, s1;
	s18 =	smul.u32 $0x13880, s0;
	[dreg:$0x17] =	wrdreg s17  }
0x1a: {  	s19 =	simm.s32 $0x370;
	s20 =	simm.s32 $0x75D0;
	s21 =	simm.s32 $0x3C0  }
0x1b: {  	s22 =	simm.s32 $0x7FD0;
	s23 =	simm.s32 $0x410;
	[dreg:$0x18] =	wrdreg s19  }
0x1c: {  	s24 =	simm.s32 $0x89D0;
	s8 =	simm.s32 $0x2;
	[dreg:$0x19] =	wrdreg s20  }
0x1d: {  	s25 =	simm.s32 $0x460;
	s9 =	simm.s32 $0x7D0;
	[dreg:$0x1a] =	wrdreg s21  }
0x1e: {  	s26 =	simm.s32 $0x93D0;
	s10 =	simm.s32 $0x50;
	[dreg:$0x1b] =	wrdreg s22  }
0x1f: {  	s11 =	simm.s32 $0x4B0;
	s12 =	simm.s32 $0x9DD0;
	[dreg:$0x1c] =	wrdreg s23  }
0x20: {  	s14 =	simm.s32 $0xA7D0;
	s15 =	simm.s32 $0x550;
	[dreg:$0x1d] =	wrdreg s24  }
0x21: {  	s17 =	simm.s32 $0x5A0;
	s0 =	simm.s32 $0x1;
	[dreg:$0x1e] =	wrdreg s25  }
0x22: {  	s5 =	sadd.s32 $0xB800, s5;
	s13 =	sshrl.u32 s1, $0x1;
	[dreg:$0x1f] =	wrdreg s26  }
0x23: {  	s19 =	simm.s32 $0x5F0;
	s20 =	simm.s32 $0xC5D0;
	s21 =	simm.s32 $0x640  }
0x24: {  	s22 =	simm.s32 $0xCFD0;
	s23 =	simm.s32 $0x690;
	s24 =	simm.s32 $0xD9D0  }
0x25: {  	s25 =	simm.s32 $0x6E0;
	s26 =	simm.s32 $0xE3D0;
	[dreg:$0x4] =	wrdreg s5  }
0x26: {  	s4 =	sadd.s32 s6, s4;
	s1 =	ssub.s32 s1, s13;
	s5 =	sshrl.u32 @!p0 s2, $0x3  }
0x27: {  	s13 =	simm.s32 $0x500;
	s16 =	sadd.s32 $0x14DE00, s4;
	[smem:$0x7FD] =	sst s5  }
0x28: {  	s1 =	smax.u32 s1, $0x1;
	s4 =	sadd.s32 s18, s4;
	[smem:$0x7FA] =	sst s16  }
0x29: {  	s6 =	simm.s32 $0x0;
	[smem:$0x7FB] =	sst s1;
	s4 =	sadd.s32 $0x15600, s4  }
0x2a: {  	s18 =	simm.s32 $0xBBD0;
	s16 =	simm.s32 $0xB1D0;
	[smem:$0x7FC] =	sst s4  }
.LBB2_1:
0x2b: {  	[smem:$0x7F9] =	sst s6  }
0x2c: {  	s1 =	simm.s32 @!p0 $0x1C02;
	s4 =	rddreg [dreg:$0x1]  }
0x2d: {  	[spmem:s5], [sflag:s1] =	dma.local @!p0 [hbm:s4], $0x9C40  }
0x2e: {  	s1 =	simm.s32 @!p0 $0x2  }
0x2f: {  	_ =	swait.ge @!p0 [sflag:s1], $0x9C40  }
0x30: {  	[sflag:s1] =	ssyncset.done @!p0 $0x0  }
0x31: {  	[sflag:s1] =	ssyncadd.s32 @!p0 $0xFFFF63C0  }
0x32: {  	[bflag:$0x0] =	sbarrier.arrive $0xFFFF  }
0x33: {  	s7 =	rddreg [dreg:$0x4]  }
0x34: {  	s1 =	sadd.s32 $0x0, s7  }
0x35: {  	[tilespmem:s3], [sflag:$0x2] =	stream.linear.gather [hbm4b:s1+s3], $0x7D0, $0x38;
	[tilespmem:$0x14FF0] =	vst v63  }
0x36: {  	_ =	swait.ge [sflag:s8], $0x7D0  }
0x37: {  	s7 =	sld [smem:$0x7FC]  }
0x38: {  	[sflag:s8] =	ssyncset.done $0x0  }
0x39: {  	[sflag:s8] =	ssyncadd.s32 $0xFFFFF830  }
0x3a: {  	[tilespmem:s9], [sflag:$0x2] =	stream.linear.gather [hbm4b:s7+s3], $0xFA00, $0x38;
	[tilespmem:$0x14FF0] =	vst v63  }
0x3b: {  	_ =	swait.ge [sflag:s8], $0xFA00  }
0x3c: {  	s1 =	rddreg [dreg:$0x6]  }
0x3d: {  	[sflag:s8] =	ssyncset.done $0x0;
	s4 =	rddreg [dreg:$0x5]  }
0x3e: {  	s5 =	rddreg [dreg:$0x7];
	[sflag:s8] =	ssyncadd.s32 $0xFFFF0600  }
0x3f: {  	[spmem:s2] =	stream.indirect.scatter.add.f32 [tilespmem:s9], [sflag:$0x1], $0x20, s3, s10, $0xb8;
	[tilespmem:$0x14FF0] =	vst v63  }
0x40: {  	s6 =	rddreg [dreg:$0x9]  }
0x41: {  	[spmem:s2] =	stream.indirect.scatter.add.f32 [tilespmem:s4], [sflag:$0x1], $0x20, s10, s10, $0xb8;
	[tilespmem:$0x14FF0] =	vst v63  }
0x42: {  	s4 =	rddreg [dreg:$0x8]  }
0x43: {  	[spmem:s2] =	stream.indirect.scatter.add.f32 [tilespmem:s5], [sflag:$0x1], $0x20, s1, s10, $0xb8;
	[tilespmem:$0x14FF0] =	vst v63  }
0x44: {  	s1 =	rddreg [dreg:$0xb]  }
0x45: {  	s5 =	rddreg [dreg:$0xa]  }
0x46: {  	[spmem:s2] =	stream.indirect.scatter.add.f32 [tilespmem:s6], [sflag:$0x1], $0x20, s4, s10, $0xb8;
	[tilespmem:$0x14FF0] =	vst v63  }
0x47: {  	s4 =	rddreg [dreg:$0xd]  }
0x48: {  	s6 =	rddreg [dreg:$0xc]  }
0x49: {  	[spmem:s2] =	stream.indirect.scatter.add.f32 [tilespmem:s1], [sflag:$0x1], $0x20, s5, s10, $0xb8;
	[tilespmem:$0x14FF0] =	vst v63  }
0x4a: {  	s1 =	rddreg [dreg:$0xf]  }
0x4b: {  	s5 =	rddreg [dreg:$0xe]  }
0x4c: {  	[spmem:s2] =	stream.indirect.scatter.add.f32 [tilespmem:s4], [sflag:$0x1], $0x20, s6, s10, $0xb8;
	[tilespmem:$0x14FF0] =	vst v63  }
0x4d: {  	s4 =	rddreg [dreg:$0x11]  }
0x4e: {  	s6 =	rddreg [dreg:$0x10]  }
0x4f: {  	[spmem:s2] =	stream.indirect.scatter.add.f32 [tilespmem:s1], [sflag:$0x1], $0x20, s5, s10, $0xb8;
	[tilespmem:$0x14FF0] =	vst v63  }
0x50: {  	s1 =	rddreg [dreg:$0x13]  }
0x51: {  	s5 =	rddreg [dreg:$0x12]  }
0x52: {  	[spmem:s2] =	stream.indirect.scatter.add.f32 [tilespmem:s4], [sflag:$0x1], $0x20, s6, s10, $0xb8;
	[tilespmem:$0x14FF0] =	vst v63  }
0x53: {  	s4 =	rddreg [dreg:$0x15]  }
0x54: {  	s6 =	rddreg [dreg:$0x14]  }
0x55: {  	[spmem:s2] =	stream.indirect.scatter.add.f32 [tilespmem:s1], [sflag:$0x1], $0x20, s5, s10, $0xb8;
	[tilespmem:$0x14FF0] =	vst v63  }
0x56: {  	s1 =	rddreg [dreg:$0x17]  }
0x57: {  	s5 =	rddreg [dreg:$0x16]  }
0x58: {  	[spmem:s2] =	stream.indirect.scatter.add.f32 [tilespmem:s4], [sflag:$0x1], $0x20, s6, s10, $0xb8;
	[tilespmem:$0x14FF0] =	vst v63  }
0x59: {  	s4 =	rddreg [dreg:$0x19]  }
0x5a: {  	s6 =	rddreg [dreg:$0x18]  }
0x5b: {  	[spmem:s2] =	stream.indirect.scatter.add.f32 [tilespmem:s1], [sflag:$0x1], $0x20, s5, s10, $0xb8;
	[tilespmem:$0x14FF0] =	vst v63  }
0x5c: {  	s1 =	rddreg [dreg:$0x1b]  }
0x5d: {  	s5 =	rddreg [dreg:$0x1a]  }
0x5e: {  	[spmem:s2] =	stream.indirect.scatter.add.f32 [tilespmem:s4], [sflag:$0x1], $0x20, s6, s10, $0xb8;
	[tilespmem:$0x14FF0] =	vst v63  }
0x5f: {  	s4 =	rddreg [dreg:$0x1d]  }
0x60: {  	s6 =	rddreg [dreg:$0x1c]  }
0x61: {  	[spmem:s2] =	stream.indirect.scatter.add.f32 [tilespmem:s1], [sflag:$0x1], $0x20, s5, s10, $0xb8;
	[tilespmem:$0x14FF0] =	vst v63  }
0x62: {  	s1 =	rddreg [dreg:$0x1f]  }
0x63: {  	[spmem:s2] =	stream.indirect.scatter.add.f32 [tilespmem:s4], [sflag:$0x1], $0x20, s6, s10, $0xb8;
	[tilespmem:$0x14FF0] =	vst v63  }
0x64: {  	s5 =	rddreg [dreg:$0x1e]  }
0x65: {  	[spmem:s2] =	stream.indirect.scatter.add.f32 [tilespmem:s1], [sflag:$0x1], $0x20, s5, s10, $0xb8;
	[tilespmem:$0x14FF0] =	vst v63  }
0x66: {  	_ = 	snop  }
0x67: {  	[spmem:s2] =	stream.indirect.scatter.add.f32 [tilespmem:s12], [sflag:$0x1], $0x20, s11, s10, $0xb8;
	[tilespmem:$0x14FF0] =	vst v63  }
0x68: {  	_ = 	snop  }
0x69: {  	[spmem:s2] =	stream.indirect.scatter.add.f32 [tilespmem:s14], [sflag:$0x1], $0x20, s13, s10, $0xb8;
	[tilespmem:$0x14FF0] =	vst v63  }
0x6a: {  	_ = 	snop  }
0x6b: {  	[spmem:s2] =	stream.indirect.scatter.add.f32 [tilespmem:s16], [sflag:$0x1], $0x20, s15, s10, $0xb8;
	[tilespmem:$0x14FF0] =	vst v63  }
0x6c: {  	_ = 	snop  }
0x6d: {  	[spmem:s2] =	stream.indirect.scatter.add.f32 [tilespmem:s18], [sflag:$0x1], $0x20, s17, s10, $0xb8;
	[tilespmem:$0x14FF0] =	vst v63  }
0x6e: {  	_ = 	snop  }
0x6f: {  	[spmem:s2] =	stream.indirect.scatter.add.f32 [tilespmem:s20], [sflag:$0x1], $0x20, s19, s10, $0xb8;
	[tilespmem:$0x14FF0] =	vst v63  }
0x70: {  	_ = 	snop  }
0x71: {  	[spmem:s2] =	stream.indirect.scatter.add.f32 [tilespmem:s22], [sflag:$0x1], $0x20, s21, s10, $0xb8;
	[tilespmem:$0x14FF0] =	vst v63  }
0x72: {  	_ = 	snop  }
0x73: {  	[spmem:s2] =	stream.indirect.scatter.add.f32 [tilespmem:s24], [sflag:$0x1], $0x20, s23, s10, $0xb8;
	[tilespmem:$0x14FF0] =	vst v63  }
0x74: {  	_ = 	snop  }
0x75: {  	[spmem:s2] =	stream.indirect.scatter.add.f32 [tilespmem:s26], [sflag:$0x1], $0x20, s25, s10, $0xb8;
	[tilespmem:$0x14FF0] =	vst v63  }
0x76: {  	_ = 	snop  }
0x77: {  	[spmem:s2] =	stream.indirect.scatter.add.f32 [tilespmem:s29], [sflag:$0x1], $0x20, s28, s10, $0xb8;
	[tilespmem:$0x14FF0] =	vst v63  }
0x78: {  	_ = 	snop  }
0x79: {  	[spmem:s2] =	stream.indirect.scatter.add.f32 [tilespmem:s31], [sflag:$0x1], $0x20, s30, s10, $0xb8;
	[tilespmem:$0x14FF0] =	vst v63  }
0x7a: {  	_ =	swait.ge [sflag:s0], $0xA00  }
0x7b: {  	[sflag:s0] =	ssyncset.done $0x0  }
0x7c: {  	[sflag:s0] =	ssyncadd.s32 $0xFFFFF600  }
0x7d: {  	_ =	swait.ge [sflag:s0], $0xA00  }
0x7e: {  	[sflag:s0] =	ssyncset.done $0x0  }
0x7f: {  	[sflag:s0] =	ssyncadd.s32 $0xFFFFF600  }
0x80: {  	_ =	swait.ge [sflag:s0], $0xA00  }
0x81: {  	[sflag:s0] =	ssyncset.done $0x0  }
0x82: {  	[sflag:s0] =	ssyncadd.s32 $0xFFFFF600  }
0x83: {  	_ =	swait.ge [sflag:s0], $0xA00  }
0x84: {  	[sflag:s0] =	ssyncset.done $0x0  }
0x85: {  	[sflag:s0] =	ssyncadd.s32 $0xFFFFF600  }
0x86: {  	_ =	swait.ge [sflag:s0], $0xA00  }
0x87: {  	[sflag:s0] =	ssyncset.done $0x0  }
0x88: {  	[sflag:s0] =	ssyncadd.s32 $0xFFFFF600  }
0x89: {  	_ =	swait.ge [sflag:s0], $0xA00  }
0x8a: {  	[sflag:s0] =	ssyncset.done $0x0  }
0x8b: {  	[sflag:s0] =	ssyncadd.s32 $0xFFFFF600  }
0x8c: {  	_ =	swait.ge [sflag:s0], $0xA00  }
0x8d: {  	[sflag:s0] =	ssyncset.done $0x0  }
0x8e: {  	[sflag:s0] =	ssyncadd.s32 $0xFFFFF600  }
0x8f: {  	_ =	swait.ge [sflag:s0], $0xA00  }
0x90: {  	[sflag:s0] =	ssyncset.done $0x0  }
0x91: {  	[sflag:s0] =	ssyncadd.s32 $0xFFFFF600  }
0x92: {  	_ =	swait.ge [sflag:s0], $0xA00  }
0x93: {  	[sflag:s0] =	ssyncset.done $0x0  }
0x94: {  	[sflag:s0] =	ssyncadd.s32 $0xFFFFF600  }
0x95: {  	_ =	swait.ge [sflag:s0], $0xA00  }
0x96: {  	[sflag:s0] =	ssyncset.done $0x0  }
0x97: {  	[sflag:s0] =	ssyncadd.s32 $0xFFFFF600  }
0x98: {  	_ =	swait.ge [sflag:s0], $0xA00  }
0x99: {  	[sflag:s0] =	ssyncset.done $0x0  }
0x9a: {  	[sflag:s0] =	ssyncadd.s32 $0xFFFFF600  }
0x9b: {  	_ =	swait.ge [sflag:s0], $0xA00  }
0x9c: {  	[sflag:s0] =	ssyncset.done $0x0  }
0x9d: {  	[sflag:s0] =	ssyncadd.s32 $0xFFFFF600  }
0x9e: {  	_ =	swait.ge [sflag:s0], $0xA00  }
0x9f: {  	[sflag:s0] =	ssyncset.done $0x0  }
0xa0: {  	[sflag:s0] =	ssyncadd.s32 $0xFFFFF600  }
0xa1: {  	_ =	swait.ge [sflag:s0], $0xA00  }
0xa2: {  	[sflag:s0] =	ssyncset.done $0x0  }
0xa3: {  	[sflag:s0] =	ssyncadd.s32 $0xFFFFF600  }
0xa4: {  	_ =	swait.ge [sflag:s0], $0xA00  }
0xa5: {  	[sflag:s0] =	ssyncset.done $0x0  }
0xa6: {  	[sflag:s0] =	ssyncadd.s32 $0xFFFFF600  }
0xa7: {  	_ =	swait.ge [sflag:s0], $0xA00  }
0xa8: {  	[sflag:s0] =	ssyncset.done $0x0  }
0xa9: {  	[sflag:s0] =	ssyncadd.s32 $0xFFFFF600  }
0xaa: {  	_ =	swait.ge [sflag:s0], $0xA00  }
0xab: {  	[sflag:s0] =	ssyncset.done $0x0  }
0xac: {  	[sflag:s0] =	ssyncadd.s32 $0xFFFFF600  }
0xad: {  	_ =	swait.ge [sflag:s0], $0xA00  }
0xae: {  	[sflag:s0] =	ssyncset.done $0x0  }
0xaf: {  	[sflag:s0] =	ssyncadd.s32 $0xFFFFF600  }
0xb0: {  	_ =	swait.ge [sflag:s0], $0xA00  }
0xb1: {  	[sflag:s0] =	ssyncset.done $0x0  }
0xb2: {  	[sflag:s0] =	ssyncadd.s32 $0xFFFFF600  }
0xb3: {  	_ =	swait.ge [sflag:s0], $0xA00  }
0xb4: {  	[sflag:s0] =	ssyncset.done $0x0  }
0xb5: {  	[sflag:s0] =	ssyncadd.s32 $0xFFFFF600  }
0xb6: {  	_ =	swait.ge [sflag:s0], $0xA00  }
0xb7: {  	s4 =	simm.s32 $0xFA;
	s6 =	smov.u32 s7;
	[sflag:s0] =	ssyncset.done $0x0  }
.LBB2_2:
0xb8: {  	[sflag:s0] =	ssyncadd.s32 $0xFFFFF600  }
0xb9: {  	_ =	swait.ge [sflag:s0], $0xA00  }
0xba: {  	[sflag:s0] =	ssyncset.done $0x0  }
0xbb: {  	[sflag:s0] =	ssyncadd.s32 $0xFFFFF600  }
0xbc: {  	_ =	swait.ge [sflag:s0], $0xA00  }
0xbd: {  	[sflag:s0] =	ssyncset.done $0x0  }
0xbe: {  	[sflag:s0] =	ssyncadd.s32 $0xFFFFF600  }
0xbf: {  	_ =	swait.ge [sflag:s0], $0xA00  }
0xc0: {  	[sflag:s0] =	ssyncset.done $0x0  }
0xc1: {  	[sflag:s0] =	ssyncadd.s32 $0xFFFFF600  }
0xc2: {  	_ =	swait.ge [sflag:s0], $0xA00  }
0xc3: {  	s1 =	smov.u32 s4;
	s5 =	rddreg [dreg:$0x4];
	[sflag:s0] =	ssyncset.done $0x0  }
0xc4: {  	[sflag:s0] =	ssyncadd.s32 $0xFFFFF600;
	s1 =	sadd.s32 s1, s5  }
0xc5: {  	[tilespmem:s3], [sflag:$0x2] =	stream.linear.gather [hbm4b:s1+s3], $0x7D0, $0x38;
	[tilespmem:$0x14FF0] =	vst v63  }
0xc6: {  	_ =	swait.ge [sflag:s8], $0x7D0  }
0xc7: {  	[sflag:s8] =	ssyncset.done $0x0  }
0xc8: {  	s6 =	sadd.s32 $0x1F40, s6;
	[sflag:s8] =	ssyncadd.s32 $0xFFFFF830  }
0xc9: {  	[tilespmem:s9], [sflag:$0x2] =	stream.linear.gather [hbm4b:s6+s3], $0xFA00, $0x38;
	[tilespmem:$0x14FF0] =	vst v63  }
0xca: {  	_ =	swait.ge [sflag:s8], $0xFA00  }
0xcb: {  	s5 =	rddreg [dreg:$0x1f]  }
0xcc: {  	s7 =	rddreg [dreg:$0x1d]  }
0xcd: {  	s1 =	rddreg [dreg:$0x1b]  }
0xce: {  	s11 =	rddreg [dreg:$0x19]  }
0xcf: {  	s12 =	rddreg [dreg:$0x17]  }
0xd0: {  	s13 =	rddreg [dreg:$0x15]  }
0xd1: {  	s14 =	rddreg [dreg:$0x13]  }
0xd2: {  	s15 =	rddreg [dreg:$0x11]  }
0xd3: {  	s16 =	rddreg [dreg:$0xf]  }
0xd4: {  	s17 =	rddreg [dreg:$0xd]  }
0xd5: {  	s18 =	rddreg [dreg:$0xb]  }
0xd6: {  	[sflag:s8] =	ssyncset.done $0x0;
	s19 =	rddreg [dreg:$0x6]  }
0xd7: {  	s20 =	rddreg [dreg:$0x5];
	[sflag:s8] =	ssyncadd.s32 $0xFFFF0600  }
0xd8: {  	[spmem:s2] =	stream.indirect.scatter.add.f32 [tilespmem:s9], [sflag:$0x1], $0x20, s3, s10, $0xb8;
	[tilespmem:$0x14FF0] =	vst v63  }
0xd9: {  	s21 =	rddreg [dreg:$0x7]  }
0xda: {  	[spmem:s2] =	stream.indirect.scatter.add.f32 [tilespmem:s20], [sflag:$0x1], $0x20, s10, s10, $0xb8;
	[tilespmem:$0x14FF0] =	vst v63  }
0xdb: {  	s22 =	rddreg [dreg:$0x9]  }
0xdc: {  	[spmem:s2] =	stream.indirect.scatter.add.f32 [tilespmem:s21], [sflag:$0x1], $0x20, s19, s10, $0xb8;
	[tilespmem:$0x14FF0] =	vst v63  }
0xdd: {  	s20 =	rddreg [dreg:$0x8]  }
0xde: {  	[spmem:s2] =	stream.indirect.scatter.add.f32 [tilespmem:s22], [sflag:$0x1], $0x20, s20, s10, $0xb8;
	[tilespmem:$0x14FF0] =	vst v63  }
0xdf: {  	s19 =	rddreg [dreg:$0xa]  }
0xe0: {  	[spmem:s2] =	stream.indirect.scatter.add.f32 [tilespmem:s18], [sflag:$0x1], $0x20, s19, s10, $0xb8;
	[tilespmem:$0x14FF0] =	vst v63  }
0xe1: {  	s20 =	rddreg [dreg:$0xc]  }
0xe2: {  	[spmem:s2] =	stream.indirect.scatter.add.f32 [tilespmem:s17], [sflag:$0x1], $0x20, s20, s10, $0xb8;
	[tilespmem:$0x14FF0] =	vst v63  }
0xe3: {  	s18 =	rddreg [dreg:$0xe]  }
0xe4: {  	[spmem:s2] =	stream.indirect.scatter.add.f32 [tilespmem:s16], [sflag:$0x1], $0x20, s18, s10, $0xb8;
	[tilespmem:$0x14FF0] =	vst v63  }
0xe5: {  	s17 =	rddreg [dreg:$0x10]  }
0xe6: {  	[spmem:s2] =	stream.indirect.scatter.add.f32 [tilespmem:s15], [sflag:$0x1], $0x20, s17, s10, $0xb8;
	[tilespmem:$0x14FF0] =	vst v63  }
0xe7: {  	s16 =	rddreg [dreg:$0x12]  }
0xe8: {  	[spmem:s2] =	stream.indirect.scatter.add.f32 [tilespmem:s14], [sflag:$0x1], $0x20, s16, s10, $0xb8;
	[tilespmem:$0x14FF0] =	vst v63  }
0xe9: {  	s15 =	rddreg [dreg:$0x14]  }
0xea: {  	[spmem:s2] =	stream.indirect.scatter.add.f32 [tilespmem:s13], [sflag:$0x1], $0x20, s15, s10, $0xb8;
	[tilespmem:$0x14FF0] =	vst v63  }
0xeb: {  	s14 =	rddreg [dreg:$0x16]  }
0xec: {  	[spmem:s2] =	stream.indirect.scatter.add.f32 [tilespmem:s12], [sflag:$0x1], $0x20, s14, s10, $0xb8;
	[tilespmem:$0x14FF0] =	vst v63  }
0xed: {  	s13 =	rddreg [dreg:$0x18]  }
0xee: {  	[spmem:s2] =	stream.indirect.scatter.add.f32 [tilespmem:s11], [sflag:$0x1], $0x20, s13, s10, $0xb8;
	[tilespmem:$0x14FF0] =	vst v63  }
0xef: {  	s12 =	rddreg [dreg:$0x1a]  }
0xf0: {  	[spmem:s2] =	stream.indirect.scatter.add.f32 [tilespmem:s1], [sflag:$0x1], $0x20, s12, s10, $0xb8;
	[tilespmem:$0x14FF0] =	vst v63  }
0xf1: {  	s11 =	rddreg [dreg:$0x1c]  }
0xf2: {  	[spmem:s2] =	stream.indirect.scatter.add.f32 [tilespmem:s7], [sflag:$0x1], $0x20, s11, s10, $0xb8;
	[tilespmem:$0x14FF0] =	vst v63  }
0xf3: {  	s1 =	rddreg [dreg:$0x1e]  }
0xf4: {  	[spmem:s2] =	stream.indirect.scatter.add.f32 [tilespmem:s5], [sflag:$0x1], $0x20, s1, s10, $0xb8;
	[tilespmem:$0x14FF0] =	vst v63  }
0xf5: {  	s12 =	simm.s32 $0x9DD0;
	s11 =	simm.s32 $0x4B0  }
0xf6: {  	[spmem:s2] =	stream.indirect.scatter.add.f32 [tilespmem:s12], [sflag:$0x1], $0x20, s11, s10, $0xb8;
	[tilespmem:$0x14FF0] =	vst v63  }
0xf7: {  	s14 =	simm.s32 $0xA7D0;
	s13 =	simm.s32 $0x500  }
0xf8: {  	[spmem:s2] =	stream.indirect.scatter.add.f32 [tilespmem:s14], [sflag:$0x1], $0x20, s13, s10, $0xb8;
	[tilespmem:$0x14FF0] =	vst v63  }
0xf9: {  	s16 =	simm.s32 $0xB1D0;
	s15 =	simm.s32 $0x550  }
0xfa: {  	[spmem:s2] =	stream.indirect.scatter.add.f32 [tilespmem:s16], [sflag:$0x1], $0x20, s15, s10, $0xb8;
	[tilespmem:$0x14FF0] =	vst v63  }
0xfb: {  	s18 =	simm.s32 $0xBBD0;
	s17 =	simm.s32 $0x5A0  }
0xfc: {  	[spmem:s2] =	stream.indirect.scatter.add.f32 [tilespmem:s18], [sflag:$0x1], $0x20, s17, s10, $0xb8;
	[tilespmem:$0x14FF0] =	vst v63  }
0xfd: {  	s19 =	simm.s32 $0x5F0;
	s20 =	simm.s32 $0xC5D0  }
0xfe: {  	[spmem:s2] =	stream.indirect.scatter.add.f32 [tilespmem:s20], [sflag:$0x1], $0x20, s19, s10, $0xb8;
	[tilespmem:$0x14FF0] =	vst v63  }
0xff: {  	s21 =	simm.s32 $0x640;
	s22 =	simm.s32 $0xCFD0  }
0x100: {  	[spmem:s2] =	stream.indirect.scatter.add.f32 [tilespmem:s22], [sflag:$0x1], $0x20, s21, s10, $0xb8;
	[tilespmem:$0x14FF0] =	vst v63  }
0x101: {  	_ = 	snop  }
0x102: {  	[spmem:s2] =	stream.indirect.scatter.add.f32 [tilespmem:s24], [sflag:$0x1], $0x20, s23, s10, $0xb8;
	[tilespmem:$0x14FF0] =	vst v63  }
0x103: {  	_ = 	snop  }
0x104: {  	[spmem:s2] =	stream.indirect.scatter.add.f32 [tilespmem:s26], [sflag:$0x1], $0x20, s25, s10, $0xb8;
	[tilespmem:$0x14FF0] =	vst v63  }
0x105: {  	_ = 	snop  }
0x106: {  	[spmem:s2] =	stream.indirect.scatter.add.f32 [tilespmem:s29], [sflag:$0x1], $0x20, s28, s10, $0xb8;
	[tilespmem:$0x14FF0] =	vst v63  }
0x107: {  	_ = 	snop  }
0x108: {  	[spmem:s2] =	stream.indirect.scatter.add.f32 [tilespmem:s31], [sflag:$0x1], $0x20, s30, s10, $0xb8;
	[tilespmem:$0x14FF0] =	vst v63  }
0x109: {  	_ =	swait.ge [sflag:s0], $0xA00  }
0x10a: {  	[sflag:s0] =	ssyncset.done $0x0  }
0x10b: {  	[sflag:s0] =	ssyncadd.s32 $0xFFFFF600  }
0x10c: {  	_ =	swait.ge [sflag:s0], $0xA00  }
0x10d: {  	[sflag:s0] =	ssyncset.done $0x0  }
0x10e: {  	[sflag:s0] =	ssyncadd.s32 $0xFFFFF600  }
0x10f: {  	_ =	swait.ge [sflag:s0], $0xA00  }
0x110: {  	[sflag:s0] =	ssyncset.done $0x0  }
0x111: {  	[sflag:s0] =	ssyncadd.s32 $0xFFFFF600  }
0x112: {  	_ =	swait.ge [sflag:s0], $0xA00  }
0x113: {  	[sflag:s0] =	ssyncset.done $0x0  }
0x114: {  	[sflag:s0] =	ssyncadd.s32 $0xFFFFF600  }
0x115: {  	_ =	swait.ge [sflag:s0], $0xA00  }
0x116: {  	[sflag:s0] =	ssyncset.done $0x0  }
0x117: {  	[sflag:s0] =	ssyncadd.s32 $0xFFFFF600  }
0x118: {  	_ =	swait.ge [sflag:s0], $0xA00  }
0x119: {  	[sflag:s0] =	ssyncset.done $0x0  }
0x11a: {  	[sflag:s0] =	ssyncadd.s32 $0xFFFFF600  }
0x11b: {  	_ =	swait.ge [sflag:s0], $0xA00  }
0x11c: {  	[sflag:s0] =	ssyncset.done $0x0  }
0x11d: {  	[sflag:s0] =	ssyncadd.s32 $0xFFFFF600  }
0x11e: {  	_ =	swait.ge [sflag:s0], $0xA00  }
0x11f: {  	[sflag:s0] =	ssyncset.done $0x0  }
0x120: {  	[sflag:s0] =	ssyncadd.s32 $0xFFFFF600  }
0x121: {  	_ =	swait.ge [sflag:s0], $0xA00  }
0x122: {  	[sflag:s0] =	ssyncset.done $0x0  }
0x123: {  	[sflag:s0] =	ssyncadd.s32 $0xFFFFF600  }
0x124: {  	_ =	swait.ge [sflag:s0], $0xA00  }
0x125: {  	[sflag:s0] =	ssyncset.done $0x0  }
0x126: {  	[sflag:s0] =	ssyncadd.s32 $0xFFFFF600  }
0x127: {  	_ =	swait.ge [sflag:s0], $0xA00  }
0x128: {  	[sflag:s0] =	ssyncset.done $0x0  }
0x129: {  	[sflag:s0] =	ssyncadd.s32 $0xFFFFF600  }
0x12a: {  	_ =	swait.ge [sflag:s0], $0xA00  }
0x12b: {  	[sflag:s0] =	ssyncset.done $0x0  }
0x12c: {  	[sflag:s0] =	ssyncadd.s32 $0xFFFFF600  }
0x12d: {  	_ =	swait.ge [sflag:s0], $0xA00  }
0x12e: {  	[sflag:s0] =	ssyncset.done $0x0  }
0x12f: {  	[sflag:s0] =	ssyncadd.s32 $0xFFFFF600  }
0x130: {  	_ =	swait.ge [sflag:s0], $0xA00  }
0x131: {  	[sflag:s0] =	ssyncset.done $0x0  }
0x132: {  	[sflag:s0] =	ssyncadd.s32 $0xFFFFF600  }
0x133: {  	_ =	swait.ge [sflag:s0], $0xA00  }
0x134: {  	[sflag:s0] =	ssyncset.done $0x0  }
0x135: {  	[sflag:s0] =	ssyncadd.s32 $0xFFFFF600  }
0x136: {  	_ =	swait.ge [sflag:s0], $0xA00  }
0x137: {  	[sflag:s0] =	ssyncset.done $0x0  }
0x138: {  	[sflag:s0] =	ssyncadd.s32 $0xFFFFF600  }
0x139: {  	_ =	swait.ge [sflag:s0], $0xA00  }
0x13a: {  	[sflag:s0] =	ssyncset.done $0x0  }
0x13b: {  	[sflag:s0] =	ssyncadd.s32 $0xFFFFF600  }
0x13c: {  	_ =	swait.ge [sflag:s0], $0xA00  }
0x13d: {  	[sflag:s0] =	ssyncset.done $0x0  }
0x13e: {  	[sflag:s0] =	ssyncadd.s32 $0xFFFFF600  }
0x13f: {  	_ =	swait.ge [sflag:s0], $0xA00  }
0x140: {  	[sflag:s0] =	ssyncset.done $0x0  }
0x141: {  	p1 =	sne.s32 s4, $0x3E8;
	[sflag:s0] =	ssyncadd.s32 $0xFFFFF600  }
.Ltmp0:
0x142: {  	_ =	swait.ge [sflag:s0], $0xA00;
	(pc) =	sbr.rel @p1 .LBB2_2-.Ltmp0, $4  }
0x143: {  	[sflag:s0] =	ssyncset.done $0x0  }
0x144: {  	[sflag:s0] =	ssyncadd.s32 $0xFFFFF600  }
0x145: {  	_ =	swait.ge [sflag:s0], $0xA00  }
0x146: {  	s4 =	sadd.s32 $0xFA, s4;
	[sflag:s0] =	ssyncset.done $0x0  }
0x147: {  	[sflag:s0] =	ssyncadd.s32 $0xFFFFF600  }
0x148: {  	_ =	swait.ge [sflag:s0], $0xA00  }
0x149: {  	[sflag:s0] =	ssyncset.done $0x0  }
0x14a: {  	[sflag:s0] =	ssyncadd.s32 $0xFFFFF600  }
0x14b: {  	_ =	swait.ge [sflag:s0], $0xA00  }
0x14c: {  	[sflag:s0] =	ssyncset.done $0x0  }
0x14d: {  	[sflag:s0] =	ssyncadd.s32 $0xFFFFF600  }
0x14e: {  	_ =	swait.ge [sflag:s0], $0xA00  }
0x14f: {  	[sflag:s0] =	ssyncset.done $0x0  }
0x150: {  	[sflag:s0] =	ssyncadd.s32 $0xFFFFF600  }
0x151: {  	_ =	swait.ge [sflag:s0], $0xA00  }
0x152: {  	[sflag:s0] =	ssyncset.done $0x0  }
0x153: {  	[sflag:s0] =	ssyncadd.s32 $0xFFFFF600  }
0x154: {  	[bflag:$0x0] =	sbarrier.arrive $0xFFFF  }
0x155: {  	s4 =	sld [smem:$0x7FA]  }
0x156: {  	s5 =	sld [smem:$0x7FD];
	_ =	sdelay $0x1  }
0x157: {  	s1 =	simm.s32 @!p0 $0x1C02  }
0x158: {  	[hbm:s4], [sflag:s1] =	dma.local @!p0 [spmem:s5], $0x9C40  }
0x159: {  	s1 =	simm.s32 @!p0 $0x2  }
0x15a: {  	_ =	swait.ge @!p0 [sflag:s1], $0x9C40  }
0x15b: {  	s6 =	sld [smem:$0x7F9]  }
0x15c: {  	s7 =	sld [smem:$0x7FB];
	_ =	sdelay $0x1  }
0x15d: {  	s6 =	sadd.s32 $0x1, s6  }
0x15e: {  	p1 =	sne.s32 s6, s7  }
.Ltmp1:
0x15f: {  	_ = 	snop;
	(pc) =	sbr.rel @p1 .LBB2_1-.Ltmp1, $3  }
0x160: {  	_ =	sdelay $0x1  }
0x161: {  	[sflag:s1] =	ssyncset.done @!p0 $0x0  }
0x162: {  	[sflag:s1] =	ssyncadd.s32 @!p0 $0xFFFF63C0  }
0x163: {  	_ =	sfence.sel $0x180000  }
0x164: {  	[bflag:$0x0] =	sbarrier.arrive $0xFFFF  }
0x165: {  	_ =	strace $0x9000004A  }
0x166: {  	[bflag:$0x2] =	sbarrier.arrive $0xFFFF  }
0x167: {  	s0 =	rddreg [dreg:$0x3]  }
0x168: {  	s0 =	sadd.s32 @!p0 $0x100000, s0  }
0x169: {  	[sflag:s0] =	ssyncadd.tile.s32 @!p0 $0x1;
	_ =	shalt  }
.Lfunc_end2:
_tile_overlayer_lowered:
.L_overlay_start_2:
0x16a: {  	(tag) =	ssettag $0x2  }
0x16b: {  	s0 =	rddreg [dreg:$0x0];
	s2 =	stileid.u32  }
0x16c: {  	s1 =	rddreg [dreg:$0x1];
	p0 =	sne.s32 s2, $0x0  }
0x16d: {  	s3 =	rddreg [dreg:$0x2];
	[bflag:$0x3] =	sbarrier.arrive $0xFFFF;
	s2 =	simm.s32 @!p0 $0x1C02  }
0x16e: {  	[timem:s3], [sflag:s2] =	dma.local @!p0 [hbm:s0], s1  }
0x16f: {  	s0 =	simm.s32 @!p0 $0x2  }
0x170: {  	_ =	swait.ge @!p0 [sflag:s0], s1  }
0x171: {  	s1 =	ssub.s32 @!p0 $0x0, s1;
	[sflag:s0] =	ssyncset.done @!p0 $0x0  }
0x172: {  	[sflag:s0] =	ssyncadd.s32 @!p0 s1  }
0x173: {  	[bflag:$0x3] =	sbarrier.arrive $0xFFFF  }
0x174: {  	_ =	shalt  }

// kernel: kernel.7.cloned.1.call-start
scs
__scs_entry_jumppad:
0x0: {  	(pc) =	sbr.rel $0x88, $3  }
0x1: {  	(tag) =	ssettag $0x0;
	lr =	simm.s32 $0x1  }
0x2: {  	[smem:$0x3F9C] =	sst lr;
	_ =	strace $0xD0000000  }
0x3: {  	_ = 	snop  }
0x4: {  	_ = 	snop  }
0x5: {  	_ = 	snop  }
0x6: {  	_ = 	snop  }
0x7: {  	_ = 	snop  }
__scs_overlays_trampoline_lowered:
0x8: {  	[smem:$0x3FAB] =	sst s0  }
0x9: {  	[smem:$0x3FAC] =	sst s1  }
0xa: {  	[smem:$0x3FAD] =	sst s2  }
0xb: {  	[smem:$0x3FAE] =	sst s3  }
0xc: {  	[smem:$0x3FAF] =	sst s4  }
0xd: {  	[smem:$0x3FB0] =	sst s5  }
0xe: {  	[smem:$0x3FB1] =	sst s6  }
0xf: {  	[smem:$0x3FB2] =	sst s7  }
0x10: {  	[smem:$0x3FB3] =	sst s8  }
0x11: {  	[smem:$0x3FB4] =	sst s9;
	s0 =	simm.s32 @!p0 $0x0  }
0x12: {  	s1 =	sld [smem:$0x3F9A];
	s0 =	simm.s32 @p0 $0x1  }
0x13: {  	[smem:$0x3FB5] =	sst s0;
	s0 =	simm.s32 @!p1 $0x0  }
0x14: {  	s2 =	sld [smem:$0x3F99];
	s0 =	simm.s32 @p1 $0x1  }
0x15: {  	[smem:$0x3FB6] =	sst s0;
	s0 =	simm.s32 @!p2 $0x0  }
0x16: {  	s3 =	sld [smem:$0x3FDB];
	s0 =	simm.s32 @p2 $0x1  }
0x17: {  	s4 =	simm.s32 $0x1BF5;
	[smem:$0x3FB8] =	sst s0  }
0x18: {  	s0 =	sld [smem:$0x3F9B];
	_ =	swait.ge [sflag:s4], $0x0  }
0x19: {  	s7 =	sld [smem:$0x3F9C]  }
0x1a: {  	s8 =	sadd.s32 $0xFFFFE003, lr  }
0x1b: {  	s9 =	sadd.s32 $0xFFFFFEF7, lr;
	s5 =	simm.s32 $0xFFFFFFFF;
	p2 =	slt.u32 s8, $0xFFFFF086  }
0x1c: {  	p1 =	slt.u32 s9, $0xF7A;
	s5 =	simm.s32 @!p2 $0x0  }
0x1d: {  	s5 =	simm.s32 @p1 $0x1;
	p0 =	seq.s32 s7, s2  }
0x1e: {  	s7 =	smul.u32 @!p0 $0xF7A, s2;
	p2 =	seq.s32 @!p0 s5, $0x0  }
0x1f: {  	s9 =	smul.u32 $0xF7A, s1;
	s8 =	simm.s32 @!p0 $0x1BF5;
	p2 =	por !p2, p0  }
0x20: {  	[sflag:s8] =	ssyncset.s32 @!p0 $0xFFFFF086;
	s6 =	sadd.s32 @!p0 s3, s7;
	s7 =	simm.s32 @!p0 $0x108  }
0x21: {  	s3 =	sadd.s32 s3, s9;
	s6 =	sadd.s32 @!p0 $0x88, s6;
	s7 =	simm.s32 @p2 $0x1082  }
0x22: {  	[simem:s7], [sflag:s8] =	dma.local @!p0 [hbm:s6], $0xF7A  }
0x23: {  	s9 =	sor.u32 $0xD0000000, s2;
	s6 =	simm.s32 $0x108;
	_ =	swait.ge @!p0 [sflag:s8], $0x0  }
0x24: {  	s3 =	sadd.s32 $0x88, s3;
	s6 =	simm.s32 @!p1 $0x1082;
	[sflag:s4] =	ssyncset.s32 $0xFFFFF086  }
0x25: {  	[simem:s6], [sflag:s4] =	dma.local [hbm:s3], $0xF7A  }
0x26: {  	[smem:$0x3F9C] =	sst s1;
	(tag) =	ssettag s2;
	_ =	strace s9  }
0x27: {  	s1 =	sld [smem:$0x3FAC]  }
0x28: {  	s2 =	sld [smem:$0x3FAD]  }
0x29: {  	s4 =	sld [smem:$0x3FAF]  }
0x2a: {  	p0 =	seq.s32 s5, $0x0;
	s5 =	sld [smem:$0x3FB0]  }
0x2b: {  	s6 =	sld [smem:$0x3FB1]  }
0x2c: {  	s7 =	sld [smem:$0x3FB2]  }
0x2d: {  	s3 =	simm.s32 $0x108;
	s8 =	sld [smem:$0x3FB3]  }
0x2e: {  	s3 =	simm.s32 @!p0 $0x1082;
	s9 =	sld [smem:$0x3FB4]  }
0x2f: {  	lr =	sadd.s32 s0, s3;
	s0 =	sld [smem:$0x3FAB]  }
0x30: {  	s3 =	sld [smem:$0x3FAE]  }
0x31: {  	[smem:$0x3FB7] =	sst s10  }
0x32: {  	s10 =	sld [smem:$0x3FB5];
	_ =	sdelay $0x3  }
0x33: {  	p0 =	seq.s32 s10, $0x1;
	s10 =	sld [smem:$0x3FB7];
	_ =	sdelay $0x3  }
0x34: {  	[smem:$0x3FB7] =	sst s10  }
0x35: {  	s10 =	sld [smem:$0x3FB6];
	_ =	sdelay $0x3  }
0x36: {  	p1 =	seq.s32 s10, $0x1;
	s10 =	sld [smem:$0x3FB7];
	_ =	sdelay $0x3  }
0x37: {  	[smem:$0x3FB7] =	sst s10  }
0x38: {  	s10 =	sld [smem:$0x3FB8]  }
0x39: {  	_ = 	snop;
	(pc) =	sbr.ind lr, $3  }
0x3a: {  	_ = 	snop  }
0x3b: {  	_ = 	snop  }
0x3c: {  	p2 =	seq.s32 s10, $0x1;
	s10 =	sld [smem:$0x3FB7]  }
0x3d: {  	_ =	shalt  }
0x3e: {  	_ =	shalt  }
0x3f: {  	_ =	shalt  }
0x40: {  	_ =	shalt  }
0x41: {  	_ =	shalt  }
0x42: {  	_ =	shalt  }
0x43: {  	_ =	shalt  }
0x44: {  	_ =	shalt  }
0x45: {  	_ =	shalt  }
0x46: {  	_ =	shalt  }
0x47: {  	_ =	shalt  }
0x48: {  	_ =	shalt  }
0x49: {  	_ =	shalt  }
0x4a: {  	_ =	shalt  }
0x4b: {  	_ =	shalt  }
0x4c: {  	_ =	shalt  }
0x4d: {  	_ =	shalt  }
0x4e: {  	_ =	shalt  }
0x4f: {  	_ =	shalt  }
0x50: {  	_ =	shalt  }
0x51: {  	_ =	shalt  }
0x52: {  	_ =	shalt  }
0x53: {  	_ =	shalt  }
0x54: {  	_ =	shalt  }
0x55: {  	_ =	shalt  }
0x56: {  	_ =	shalt  }
0x57: {  	_ =	shalt  }
0x58: {  	_ =	shalt  }
0x59: {  	_ =	shalt  }
0x5a: {  	_ =	shalt  }
0x5b: {  	_ =	shalt  }
0x5c: {  	_ =	shalt  }
0x5d: {  	_ =	shalt  }
0x5e: {  	_ =	shalt  }
0x5f: {  	_ =	shalt  }
0x60: {  	_ =	shalt  }
0x61: {  	_ =	shalt  }
0x62: {  	_ =	shalt  }
0x63: {  	_ =	shalt  }
0x64: {  	_ =	shalt  }
0x65: {  	_ =	shalt  }
0x66: {  	_ =	shalt  }
0x67: {  	_ =	shalt  }
0x68: {  	_ =	shalt  }
0x69: {  	_ =	shalt  }
0x6a: {  	_ =	shalt  }
0x6b: {  	_ =	shalt  }
0x6c: {  	_ =	shalt  }
0x6d: {  	_ =	shalt  }
0x6e: {  	_ =	shalt  }
0x6f: {  	_ =	shalt  }
0x70: {  	_ =	shalt  }
0x71: {  	_ =	shalt  }
0x72: {  	_ =	shalt  }
0x73: {  	_ =	shalt  }
0x74: {  	_ =	shalt  }
0x75: {  	_ =	shalt  }
0x76: {  	_ =	shalt  }
0x77: {  	_ =	shalt  }
0x78: {  	_ =	shalt  }
0x79: {  	_ =	shalt  }
0x7a: {  	_ =	shalt  }
0x7b: {  	_ =	shalt  }
0x7c: {  	_ =	shalt  }
0x7d: {  	_ =	shalt  }
0x7e: {  	_ =	shalt  }
0x7f: {  	_ =	shalt  }
0x80: {  	_ =	shalt  }
0x81: {  	_ =	shalt  }
0x82: {  	_ =	shalt  }
0x83: {  	_ =	shalt  }
0x84: {  	_ =	shalt  }
0x85: {  	_ =	shalt  }
0x86: {  	_ =	shalt  }
0x87: {  	_ =	shalt  }
.Lfunc_end0:
.L_simem_size_0:
called_computation_lowered:
.L_overlay_start_0:
0x88: {  	s2 =	sld [smem:$0x3FD9]  }
0x89: {  	s3 =	sld [smem:$0x3FFE];
	_ =	sdelay $0x1  }
0x8a: {  	s1 =	srdreg.scid  }
0x8b: {  	s0 =	sand.u32 $0x1, s1  }
0x8c: {  	s17 =	sshll.u32 s0, $0xA;
	s2 =	sadd.s32 s3, s2  }
0x8d: {  	s2 =	sadd.s32 s2, s17  }
0x8e: {  	[smem:$0x3FC3] =	sst s2  }
0x8f: {  	_ = 	snop  }
0x90: {  	s2 =	sld [smem:$0x3FD0];
	(tm) =	ssettm $0x1  }
0x91: {  	s18 =	sld [smem:$0x3FFB];
	_ =	sdelay $0x3  }
0x92: {  	_ =	strace s18  }
0x93: {  	s3 =	sld [smem:$0x3FFC];
	_ =	sdelay $0x3  }
0x94: {  	_ =	strace s3  }
0x95: {  	s3 =	sld [smem:$0x3FFD];
	_ =	sdelay $0x3  }
0x96: {  	_ =	strace s3  }
0x97: {  	_ =	strace $0x8FFFFFFF  }
0x98: {  	s19 =	sld [smem:$0x3FDB];
	_ =	sdelay $0x1  }
0x99: {  	s4 =	simm.s32 $_scs_section_size  }
0x9a: {  	s5 =	simm.s32 $_size__tile_overlayer_lowered;
	s6 =	simm.s32 $_tile_overlayer_lowered  }
0x9b: {  	s22 =	simm.s32 $0x1BFF;
	s21 =	sshll.u32 s6, $0x1;
	s3 =	sadd.s32 s4, s19  }
0x9c: {  	s7 =	simm.s32 $0x0;
	s20 =	sshll.u32 s5, $0x1;
	s5 =	sadd.s32 s21, s3  }
0x9d: {  	[timem:s7], [sflag:s22] =	dma.local [hbm:s5], s20  }
0x9e: {  	_ =	swait.ge [sflag:s22], s20  }
0x9f: {  	s4 =	ssub.s32 $0x0, s20;
	[sflag:s22] =	ssyncset.done $0x0  }
0xa0: {  	[sflag:s22] =	ssyncadd.s32 s4;
	_ =	sdelay $0x1  }
0xa1: {  	s23 =	simm.s32 $0x1B8B  }
0xa2: {  	_ =	swait.ge [sflag:s23], $0x1  }
0xa3: {  	[sflag:s23] =	ssyncset.done $0x0  }
0xa4: {  	s25 =	simm.s32 $0x1B8E;
	s24 =	sld [smem:$0x3FFE];
	[sflag:s23] =	ssyncadd.s32 $0xFFFFFFFF  }
0xa5: {  	s26 =	simm.s32 $execute0_lowered;
	[smem:$0x3FD2] =	sst s25  }
0xa6: {  	s5 =	sshll.u32 s26, $0x1;
	_ =	strace $0x80000046;
	[dreg:$0x1] =	wrdreg $0xFFFFFFFF  }
0xa7: {  	s28 =	simm.s32 $_size_execute0_lowered;
	s3 =	sadd.s32 s3, s5;
	[dreg:$0x0] =	wrdreg $0x0  }
0xa8: {  	s5 =	sshll.u32 s28, $0x1;
	[dreg:$0x2] =	wrdreg s3  }
0xa9: {  	[dreg:$0x3] =	wrdreg s5  }
0xaa: {  	[dreg:$0x4] =	wrdreg $0xC0  }
0xab: {  	_ =	task [dreg:s7], $0x5FFFF  }
0xac: {  	[dreg:$0x1] =	wrdreg $0xFFFFFFFF  }
0xad: {  	[dreg:$0x0] =	wrdreg $0x60  }
0xae: {  	[dreg:$0x2] =	wrdreg s2  }
0xaf: {  	[dreg:$0x3] =	wrdreg s24  }
0xb0: {  	[dreg:$0x4] =	wrdreg $0x9  }
0xb1: {  	_ =	task.clear_ibuf [dreg:s7], $0x5FFFF;
	_ =	strace $0x90000046  }
0xb2: {  	s29 =	simm.s32 $0x9;
	_ =	strace $0x80000048  }
0xb3: {  	_ =	swait.ge [sflag:s29], $0x1  }
0xb4: {  	[sflag:s29] =	ssyncadd.s32 $0xFFFFFFFF  }
0xb5: {  	_ =	strace $0x90000048  }
0xb6: {  	_ =	sfence  }
0xb7: {  	s30 =	sld [smem:$0x0];
	_ =	sdelay $0x2  }
0xb8: {  	s31 =	sshll.u32 s1, $0xD;
	s1 =	sshrl.u32 s1, $0x2  }
0xb9: {  	s3 =	sand.u32 $0x4000, s31;
	s1 =	sadd.s32 s1, s30  }
0xba: {  	s0 =	sor.u32 s3, s0;
	s1 =	sshll.u32 s1, $0x11  }
0xbb: {  	s0 =	sor.u32 s1, s0  }
0xbc: {  	s0 =	sadd.s32 $0x8F2B, s0  }
0xbd: {  	[sflag:s0] =	ssyncadd.remote.s32 $0x1  }
0xbe: {  	_ =	sfence.sel $0xFFFF  }
0xbf: {  	[dreg:$0x0] =	wrdreg $0xFFFFFFFF;
	(pc) =	sbr.abs _section_cstart, $3  }
0xc0: {  	[dreg:$0x1] =	wrdreg $0xFFFFFFFF  }
0xc1: {  	_ =	task.clear_ibuf [dreg:s7], $0x2FFFF;
	_ =	strace $0x9FFFFFFF  }
0xc2: {  	(tm) =	ssettm $0x7FFFFFFF  }
0xc3: {  	_ =	shalt  }
tec
execute0_lowered:
.L_overlay_start_1:
0x0: {  	(tag) =	ssettag $0x1  }
0x1: {  	s2 =	rddreg [dreg:$0x0]  }
0x2: {  	s4 =	rddreg [dreg:$0x1]  }
0x3: {  	s0 =	rddreg [dreg:$0x2];
	s1 =	stileid.u32  }
0x4: {  	s5 =	srdreg.scid;
	s3 =	simm.s32 $0x0;
	s6 =	smul.u32 $0x4E20, s1  }
0x5: {  	s10 =	simm.s32 $0x0;
	s5 =	sand.u32 $0x1, s5;
	s8 =	smul.u32 $0x13880, s1  }
0x6: {  	[smem:$0x7FF] =	sst s3;
	s7 =	smul.u32 $0x2710, s5;
	s9 =	ssub.s32 $0x2, s5  }
0x7: {  	_ =	strace $0x80000047;
	s5 =	smul.u32 $0x9C40, s5;
	s31 =	sshrl.u32 s9, $0x1  }
0x8: {  	s8 =	sadd.s32 s8, s4;
	s6 =	sadd.s32 s7, s6;
	s7 =	ssub.s32 s9, s31  }
0x9: {  	s5 =	sadd.s32 s5, s8;
	s8 =	simm.s32 $0x50;
	s6 =	sshrl.u32 s6, $0x3  }
0xa: {  	s9 =	simm.s32 $0x1;
	s5 =	sadd.s32 $0x15600, s5;
	s6 =	sadd.s32 s6, s4  }
0xb: {  	s4 =	smax.u32 s7, $0x1;
	s7 =	simm.s32 $0x2;
	s6 =	sadd.s32 $0x1A00, s6  }
.LBB2_1:
0xc: {  	s11 =	sadd.s32 $0x0, s6  }
0xd: {  	[tilespmem:s3], [sflag:$0x2] =	stream.linear.gather [hbm4b:s11+s3], $0x50, $0x38;
	[tilespmem:$0xA50] =	vst v63  }
0xe: {  	_ =	swait.ge [sflag:s7], $0x50  }
0xf: {  	[sflag:s7] =	ssyncset.done $0x0  }
0x10: {  	[sflag:s7] =	ssyncadd.s32 $0xFFFFFFB0  }
0x11: {  	[tilespmem:s8], [sflag:$0x1] =	stream.indirect.gather [hbm4b:s2+s8], $0x20, s3, s8, $0xb8;
	[tilespmem:$0xA50] =	vst v63  }
0x12: {  	_ =	swait.ge [sflag:s9], $0xA00  }
0x13: {  	[sflag:s9] =	ssyncset.done $0x0  }
0x14: {  	[sflag:s9] =	ssyncadd.s32 $0xFFFFF600  }
0x15: {  	[hbm4b:s5+s3] =	stream.linear.scatter [tilespmem:s8], [sflag:$0x2], $0xA00, $0x38;
	[tilespmem:$0xA50] =	vst v63  }
0x16: {  	s12 =	simm.s32 $0xA;
	_ =	swait.ge [sflag:s7], $0xA00  }
0x17: {  	s13 =	simm.s32 $0x14;
	s11 =	sadd.s32 $0x140, s5;
	[sflag:s7] =	ssyncset.done $0x0  }
.LBB2_2:
0x18: {  	s14 =	sadd.s32 s12, s6  }
0x19: {  	[sflag:s7] =	ssyncadd.s32 $0xFFFFF600;
	s12 =	smov.u32 s13;
	s15 =	sadd.s32 $0xA, s13  }
0x1a: {  	[tilespmem:s3], [sflag:$0x2] =	stream.linear.gather [hbm4b:s14+s3], $0x50, $0x38;
	[tilespmem:$0xA50] =	vst v63  }
0x1b: {  	p0 =	sne.s32 s13, $0x4D8;
	_ =	swait.ge [sflag:s7], $0x50  }
0x1c: {  	[sflag:s7] =	ssyncset.done $0x0  }
0x1d: {  	[sflag:s7] =	ssyncadd.s32 $0xFFFFFFB0  }
0x1e: {  	[tilespmem:s8], [sflag:$0x1] =	stream.indirect.gather [hbm4b:s2+s8], $0x20, s3, s8, $0xb8;
	[tilespmem:$0xA50] =	vst v63  }
0x1f: {  	_ =	swait.ge [sflag:s9], $0xA00  }
.Ltmp0:
0x20: {  	[sflag:s9] =	ssyncset.done $0x0;
	(pc) =	sbr.rel @p0 .LBB2_2-.Ltmp0, $4  }
0x21: {  	[sflag:s9] =	ssyncadd.s32 $0xFFFFF600  }
0x22: {  	[hbm4b:s11+s3] =	stream.linear.scatter [tilespmem:s8], [sflag:$0x2], $0xA00, $0x38;
	[tilespmem:$0xA50] =	vst v63  }
0x23: {  	_ =	swait.ge [sflag:s7], $0xA00  }
0x24: {  	s13 =	smov.u32 s15;
	s11 =	sadd.s32 $0x140, s11;
	[sflag:s7] =	ssyncset.done $0x0  }
0x25: {  	s12 =	sadd.s32 s12, s6;
	[sflag:s7] =	ssyncadd.s32 $0xFFFFF600  }
0x26: {  	[tilespmem:s3], [sflag:$0x2] =	stream.linear.gather [hbm4b:s12+s3], $0x50, $0x38;
	[tilespmem:$0xA50] =	vst v63  }
0x27: {  	_ =	swait.ge [sflag:s7], $0x50  }
0x28: {  	[sflag:s7] =	ssyncset.done $0x0  }
0x29: {  	[sflag:s7] =	ssyncadd.s32 $0xFFFFFFB0  }
0x2a: {  	[tilespmem:s8], [sflag:$0x1] =	stream.indirect.gather [hbm4b:s2+s8], $0x20, s3, s8, $0xb8;
	[tilespmem:$0xA50] =	vst v63  }
0x2b: {  	s10 =	sadd.s32 $0x1, s10;
	_ =	swait.ge [sflag:s9], $0xA00  }
0x2c: {  	p0 =	sne.s32 s10, s4;
	[sflag:s9] =	ssyncset.done $0x0  }
.Ltmp1:
0x2d: {  	[sflag:s9] =	ssyncadd.s32 $0xFFFFF600;
	(pc) =	sbr.rel @p0 .LBB2_1-.Ltmp1, $4  }
0x2e: {  	[hbm4b:s11+s3] =	stream.linear.scatter [tilespmem:s8], [sflag:$0x2], $0xA00, $0x38;
	[tilespmem:$0xA50] =	vst v63  }
0x2f: {  	_ =	swait.ge [sflag:s7], $0xA00  }
0x30: {  	[sflag:s7] =	ssyncset.done $0x0  }
0x31: {  	[sflag:s7] =	ssyncadd.s32 $0xFFFFF600  }
0x32: {  	_ =	sfence.sel $0x180000  }
0x33: {  	[bflag:$0x0] =	sbarrier.arrive $0xFFFF  }
0x34: {  	p0 =	sne.s32 s1, $0x0;
	_ =	strace $0x90000047  }
0x35: {  	s0 =	sadd.s32 @!p0 $0x100000, s0;
	[bflag:$0x2] =	sbarrier.arrive $0xFFFF  }
0x36: {  	[sflag:s0] =	ssyncadd.tile.s32 @!p0 $0x1;
	_ =	shalt  }
.Lfunc_end2:
_tile_overlayer_lowered:
.L_overlay_start_2:
0x37: {  	(tag) =	ssettag $0x2  }
0x38: {  	s0 =	rddreg [dreg:$0x0];
	s2 =	stileid.u32  }
0x39: {  	s1 =	rddreg [dreg:$0x1];
	p0 =	sne.s32 s2, $0x0  }
0x3a: {  	s3 =	rddreg [dreg:$0x2];
	[bflag:$0x3] =	sbarrier.arrive $0xFFFF;
	s2 =	simm.s32 @!p0 $0x1C02  }
0x3b: {  	[timem:s3], [sflag:s2] =	dma.local @!p0 [hbm:s0], s1  }
0x3c: {  	s0 =	simm.s32 @!p0 $0x2  }
0x3d: {  	_ =	swait.ge @!p0 [sflag:s0], s1  }
0x3e: {  	s1 =	ssub.s32 @!p0 $0x0, s1;
	[sflag:s0] =	ssyncset.done @!p0 $0x0  }
0x3f: {  	[sflag:s0] =	ssyncadd.s32 @!p0 s1  }
0x40: {  	[bflag:$0x3] =	sbarrier.arrive $0xFFFF  }
0x41: {  	_ =	shalt  }

</sc_bundles>
